<compile_context>
chip_gen: v7x
topology: tpu7x:2x2x1
jax: 0.10.2.dev20260603
libtpu: 0.0.44.dev20260713+nightly
codegen_flags: <defaults>
</compile_context>

<pallas_src>
import functools

import jax
import jax.numpy as jnp
from jax import lax
from jax.experimental import pallas as pl
from jax.experimental.pallas import tpu as pltpu
from jax.experimental.pallas import tpu_sc as plsc

N_NODES = 10000
N_EDGES = 160000
D = 256
MAX_SEQ = 500

NS = 16
VR = 640
ROWS = NS * VR // 16
RPT = ROWS // NS
EPT = 10240
ESTRIDE = 9984
NG = 512
GPT = NG // NS
NB = NG + 16

_mesh = plsc.VectorSubcoreMesh(
    core_axis_name="c", subcore_axis_name="s", num_cores=1)


@functools.partial(
    pl.kernel,
    out_type=jax.ShapeDtypeStruct((NG, D), jnp.float32),
    mesh=_mesh,
    scratch_types=[
        pltpu.VMEM((2, EPT), jnp.int32),
        pltpu.VMEM((ROWS, 16), jnp.int32),
        pltpu.VMEM((RPT, 16), jnp.int32),
        pltpu.VMEM((16,), jnp.int32),
        pltpu.VMEM((16, 16), jnp.int32),
        pltpu.VMEM((RPT // 8, 128), jnp.int32),
        pltpu.VMEM((RPT // 8, 128), jnp.int32),
        pltpu.VMEM((ROWS // 128, 128), jnp.int32),
        pltpu.VMEM((NB,), jnp.int32),
        pltpu.VMEM((GPT,), jnp.int32),
        pltpu.VMEM((GPT, D), jnp.float32),
        pltpu.VMEM_SHARED((ROWS, 16), jnp.int32),
        pltpu.VMEM_SHARED((NB,), jnp.int32),
        pltpu.VMEM_SHARED((16, 16), jnp.int32),
        pltpu.SemaphoreType.DMA,
    ],
    compiler_params=pltpu.CompilerParams(needs_layout_passes=False),
)
def _sc_unique_gather(x_hbm, e_hbm, gx_hbm, edges_v, bitmap_v,
                      p_local, cnt_v, cnts_l, idx_chunk, val_chunk, riota_v,
                      zn_v, nidx_v, rows_v, pres_sh, nodes_sh, cnts_sh, sem):
    s = lax.axis_index("s")
    iota = lax.iota(jnp.int32, 16)
    zeros16 = jnp.zeros((16,), jnp.int32)
    ones16 = jnp.ones((16,), jnp.int32)

    with jax.named_scope("edges_dma"):
        edma = pltpu.async_copy(e_hbm.at[:, pl.ds(s * ESTRIDE, EPT)],
                                edges_v, sem)

    with jax.named_scope("zero"):
        @plsc.parallel_loop(0, ROWS, unroll=8)
        def _zb(r):
            bitmap_v[r] = zeros16

        @plsc.parallel_loop(0, ROWS // 16, unroll=4)
        def _ri(g):
            riota_v[g >> 3, pl.ds((g & 7) * 16, 16)] = g * 16 + iota

        pltpu.sync_copy(bitmap_v.at[pl.ds(0, RPT)],
                        pres_sh.at[pl.ds(s * RPT, RPT)])

        @pl.when(s == 0)
        def _init_nodes():
            def _zn(r, _):
                zn_v[pl.ds(r * 16, 16)] = zeros16
                return 0
            lax.fori_loop(0, NB // 16, _zn, 0)
            pltpu.sync_copy(zn_v, nodes_sh)

    with jax.named_scope("scatter"):
        edma.wait()

        @plsc.parallel_loop(0, EPT // 16, unroll=8)
        def _scat(i):
            v = edges_v[0, pl.ds(i * 16, 16)]
            plsc.store_scatter(bitmap_v, [v >> 4, v & 15], ones16)

    plsc.subcore_barrier()

    with jax.named_scope("reduce"):
        copies = [
            pltpu.async_copy(bitmap_v.at[pl.ds(j * 128, 128)],
                             pres_sh.at[riota_v.at[j]], sem, add=True)
            for j in range(ROWS // 128)
        ]
        for c in copies:
            c.wait()

    plsc.subcore_barrier()

    with jax.named_scope("counts"):
        pltpu.sync_copy(pres_sh.at[pl.ds(s * RPT, RPT)], p_local)

        def _cnt(g, acc):
            return acc + jnp.minimum(p_local[g], 1)
        acc = lax.fori_loop(0, RPT, _cnt, zeros16)
        cnt_v[...] = jnp.broadcast_to(jnp.sum(acc), (16,))
        pltpu.sync_copy(cnt_v, cnts_sh.at[s])

    plsc.subcore_barrier()

    with jax.named_scope("compact"):
        pltpu.sync_copy(cnts_sh, cnts_l)
        counts_vec = plsc.load_gather(cnts_l, [iota, iota])
        base = jnp.sum(jnp.where(iota < s, counts_vec, 0))

        run = jnp.int32(0)
        copies = []
        for j in range(RPT // 8):
            def _grp(g2, run):
                g = j * 8 + g2
                p = p_local[g]
                m = p > 0
                mi = m.astype(jnp.int32)
                incl = plsc.cumsum(mi)
                ranks = base + run + incl - 1
                vals = s * VR + g * 16 + iota
                cond = m & (ranks < MAX_SEQ)
                idx_chunk[j, pl.ds(g2 * 16, 16)] = jnp.where(cond, ranks,
                                                             NG + iota)
                val_chunk[j, pl.ds(g2 * 16, 16)] = jnp.where(cond, vals, 0)
                return run + incl[15]
            run = lax.fori_loop(0, 8, _grp, run)
            copies.append(pltpu.async_copy(val_chunk.at[j],
                                           nodes_sh.at[idx_chunk.at[j]], sem))
        for c in copies:
            c.wait()

    plsc.subcore_barrier()

    with jax.named_scope("xgather"):
        pltpu.sync_copy(nodes_sh.at[pl.ds(s * GPT, GPT)], nidx_v)
        pltpu.async_copy(x_hbm.at[nidx_v], rows_v, sem).wait()
        pltpu.sync_copy(rows_v, gx_hbm.at[pl.ds(s * GPT, GPT)])


def _mm_body(gx_ref, w_ref, b_ref, o_ref):
    acc = lax.dot_general(gx_ref[...], w_ref[...], (((1,), (1,)), ((), ())),
                          preferred_element_type=jnp.float32)
    h = acc[:MAX_SEQ] + b_ref[...]
    o_ref[...] = h.reshape(2 * MAX_SEQ, 128)


_mm = pl.pallas_call(
    _mm_body,
    out_shape=jax.ShapeDtypeStruct((2 * MAX_SEQ, 128), jnp.float32),
)


def kernel(x, edge_index, W, b):
    gx = _sc_unique_gather(x, edge_index)
    return _mm(gx, W, b.reshape(1, D)).reshape(1, MAX_SEQ, D)

# --- scband reference (transcript-rebuilt; emitter-appended) ---
"""Pipeline reference for scband-graph-to-sequence-converter-25555055411321 (READ-ONLY COPY).

The authoritative reference and input builder live on the scoring server;
editing this copy changes nothing except your own understanding.
"""

import jax, jax.numpy as jnp
import numpy as np

N_NODES = 10000
N_EDGES = 160000
D_IN = 256
D_OUT = 256
MAX_SEQ = 500

def setup_inputs(seed: int = 0) -> dict:
    key = jax.random.key(seed)
    k1, k2, k3, k4 = jax.random.split(key, 4)
    x = jax.random.normal(k1, (N_NODES, D_IN), dtype=jnp.float32)
    edge_index = jax.random.randint(k2, (2, N_EDGES), 0, N_NODES)
    W = jax.random.normal(k3, (D_OUT, D_IN), dtype=jnp.float32) * 0.05
    b = jax.random.normal(k4, (D_OUT,), dtype=jnp.float32) * 0.05
    return {"x": x, "edge_index": edge_index, "W": W, "b": b}

def reference(x, edge_index, W, b):
    # x = self.proj(x)  -> Linear(node_feat, seq_feat)
    h = x @ W.T + b
    # batch is None path:
    # nodes = torch.unique(edge_index[0], sorted=True)[:max_seq]
    # jnp.unique with size= returns the first `size` sorted unique values
    # (padded with fill_value if fewer uniques exist), matching [:max_seq].
    nodes = jnp.unique(edge_index[0], size=MAX_SEQ, fill_value=0)
    # return x[nodes].unsqueeze(0)
    return h[nodes][None, :, :]

if __name__ == "__main__":
    import jax
    _d = setup_inputs()
    print(jax.jit(kernel)(*tuple(_d.values())))

</pallas_src>

<mosaic_0001>
#map = affine_map<(d0, d1) -> (0, 0)>
module attributes {stable_mosaic.version = 14 : i64} {
  func.func @_sc_unique_gather(%arg0: i32, %arg1: i32, %arg2: memref<10000x256xf32, #tpu.memory_space<hbm>>, %arg3: memref<2x160000xi32, #tpu.memory_space<hbm>>, %arg4: memref<512x256xf32, #tpu.memory_space<hbm>>, %arg5: memref<2x10240xi32, #tpu.memory_space<vmem>>, %arg6: memref<640x16xi32, #tpu.memory_space<vmem>>, %arg7: memref<40x16xi32, #tpu.memory_space<vmem>>, %arg8: memref<16xi32, #tpu.memory_space<vmem>>, %arg9: memref<16x16xi32, #tpu.memory_space<vmem>>, %arg10: memref<5x128xi32, #tpu.memory_space<vmem>>, %arg11: memref<5x128xi32, #tpu.memory_space<vmem>>, %arg12: memref<5x128xi32, #tpu.memory_space<vmem>>, %arg13: memref<528xi32, #tpu.memory_space<vmem>>, %arg14: memref<32xi32, #tpu.memory_space<vmem>>, %arg15: memref<32x256xf32, #tpu.memory_space<vmem>>, %arg16: memref<640x16xi32, #tpu.memory_space<vmem_shared>>, %arg17: memref<528xi32, #tpu.memory_space<vmem_shared>>, %arg18: memref<16x16xi32, #tpu.memory_space<vmem_shared>>, %arg19: memref<!tpu.dma_semaphore, #tpu.memory_space<semaphore_mem>>) attributes {dimension_semantics = [#tpu.dimension_semantics<core_parallel>, #tpu.dimension_semantics<subcore_parallel>], iteration_bounds = array<i64: 1, 16>, scalar_prefetch = 0 : i64, scratch_operands = 15 : i64, tpu.core_type = #tpu.core_type<sc_vector_subcore>, window_params = [{transform_indices = #map}, {transform_indices = #map}, {transform_indices = #map}]} {
    %iota3A = tpu.iota {dimensions = array<i32: 0>} : vector<16xi32>
    %broadcast_in_dim3A = arith.constant 0 : i32
    %broadcast_in_dim3A_0 = vector.broadcast %broadcast_in_dim3A : i32 to vector<16xi32>
    %broadcast_in_dim3A_1 = arith.constant 1 : i32
    %broadcast_in_dim3A_2 = vector.broadcast %broadcast_in_dim3A_1 : i32 to vector<16xi32>
    "tpu.trace_start"() <{level = 10 : i32, message = "edges_dma"}> : () -> ()
    %mul3A = arith.constant 9984 : i32
    %mul3A_3 = arith.muli %arg1, %mul3A : i32
    %dma_start3A = arith.constant 0 : i32
    %dma_start3A_4 = tpu.memref_slice %arg3[%dma_start3A, %mul3A_3] : memref<2x160000xi32, #tpu.memory_space<hbm>> -> memref<2x10240xi32, #tpu.memory_space<hbm>>
    %dma_start3A_5 = arith.constant 0 : i32
    %dma_start3A_6 = tpu.memref_slice %arg3[%dma_start3A_5, %mul3A_3] : memref<2x160000xi32, #tpu.memory_space<hbm>> -> memref<2x10240xi32, #tpu.memory_space<hbm>>
    tpu.enqueue_dma source(%dma_start3A_6 : memref<2x10240xi32, #tpu.memory_space<hbm>>) target(%arg5 : memref<2x10240xi32, #tpu.memory_space<vmem>>) target_semaphore(%arg19 : memref<!tpu.dma_semaphore, #tpu.memory_space<semaphore_mem>>)
    %parallel_loop3A = arith.constant 0 : i32
    %parallel_loop3A_7 = arith.constant 640 : i32
    %parallel_loop3A_8 = arith.constant 1 : i32
    "tpu.trace_stop"() : () -> ()
    "tpu.trace_start"() <{level = 10 : i32, message = "zero"}> : () -> ()
    scf.for %parallel_loop3A_284 = %parallel_loop3A to %parallel_loop3A_7 step %parallel_loop3A_8  : i32 {
      %parallel_loop3A_285 = arith.index_cast %parallel_loop3A_284 : i32 to index
      %parallel_loop3A_286 = arith.constant 0 : index
      %parallel_loop3A_287 = tpu.vector_load %arg6[%parallel_loop3A_285, %parallel_loop3A_286] {strides = array<i32>} : memref<640x16xi32, #tpu.memory_space<vmem>>, vector<16xi32>,
      tpu.vector_store %arg6[%parallel_loop3A_285, %parallel_loop3A_286], %broadcast_in_dim3A_0 {strides = array<i32>} : memref<640x16xi32, #tpu.memory_space<vmem>>, vector<16xi32>,
    } {sc.loop_unroll_factor = 8 : i64, sc.parallel_access}
    %parallel_loop3A_9 = arith.constant 0 : i32
    %parallel_loop3A_10 = arith.constant 40 : i32
    %parallel_loop3A_11 = arith.constant 1 : i32
    scf.for %parallel_loop3A_284 = %parallel_loop3A_9 to %parallel_loop3A_10 step %parallel_loop3A_11  : i32 {
      %parallel_loop3A_285 = arith.constant 16 : i32
      %parallel_loop3A_286 = arith.muli %parallel_loop3A_284, %parallel_loop3A_285 : i32
      %parallel_loop3A_287 = vector.broadcast %parallel_loop3A_286 : i32 to vector<16xi32>
      %parallel_loop3A_288 = arith.addi %parallel_loop3A_287, %iota3A : vector<16xi32>
      %parallel_loop3A_289 = arith.constant 3 : i32
      %parallel_loop3A_290 = arith.shrsi %parallel_loop3A_284, %parallel_loop3A_289 : i32
      %parallel_loop3A_291 = arith.constant 7 : i32
      %parallel_loop3A_292 = arith.andi %parallel_loop3A_284, %parallel_loop3A_291 : i32
      %parallel_loop3A_293 = arith.constant 16 : i32
      %parallel_loop3A_294 = arith.muli %parallel_loop3A_292, %parallel_loop3A_293 : i32
      %parallel_loop3A_295 = arith.index_cast %parallel_loop3A_290 : i32 to index
      %parallel_loop3A_296 = arith.index_cast %parallel_loop3A_294 : i32 to index
      %parallel_loop3A_297 = tpu.vector_load %arg12[%parallel_loop3A_295, %parallel_loop3A_296] {strides = array<i32>} : memref<5x128xi32, #tpu.memory_space<vmem>>, vector<16xi32>,
      tpu.vector_store %arg12[%parallel_loop3A_295, %parallel_loop3A_296], %parallel_loop3A_288 {strides = array<i32>} : memref<5x128xi32, #tpu.memory_space<vmem>>, vector<16xi32>,
    } {sc.loop_unroll_factor = 4 : i64, sc.parallel_access}
    %mul3A_12 = arith.constant 40 : i32
    %mul3A_13 = arith.muli %arg1, %mul3A_12 : i32
    "tpu.region"() ({
      %run_scoped3A = tpu.sem_alloc : memref<!tpu.dma_semaphore, #tpu.memory_space<semaphore_mem>>
      %dma_start3A_284 = arith.constant 0 : i32
      %dma_start3A_285 = arith.constant 0 : i32
      %dma_start3A_286 = tpu.memref_slice %arg6[%dma_start3A_284, %dma_start3A_285] : memref<640x16xi32, #tpu.memory_space<vmem>> -> memref<40x16xi32, #tpu.memory_space<vmem>>
      %dma_start3A_287 = arith.constant 0 : i32
      %dma_start3A_288 = tpu.memref_slice %arg16[%mul3A_13, %dma_start3A_287] : memref<640x16xi32, #tpu.memory_space<vmem_shared>> -> memref<40x16xi32, #tpu.memory_space<vmem_shared>>
      %dma_start3A_289 = arith.constant 0 : i32
      %dma_start3A_290 = tpu.memref_slice %arg16[%mul3A_13, %dma_start3A_289] : memref<640x16xi32, #tpu.memory_space<vmem_shared>> -> memref<40x16xi32, #tpu.memory_space<vmem_shared>>
      %dma_start3A_291 = arith.constant 0 : i32
      %dma_start3A_292 = arith.constant 0 : i32
      %dma_start3A_293 = tpu.memref_slice %arg6[%dma_start3A_291, %dma_start3A_292] : memref<640x16xi32, #tpu.memory_space<vmem>> -> memref<40x16xi32, #tpu.memory_space<vmem>>
      tpu.enqueue_dma source(%dma_start3A_293 : memref<40x16xi32, #tpu.memory_space<vmem>>) target(%dma_start3A_290 : memref<40x16xi32, #tpu.memory_space<vmem_shared>>) target_semaphore(%run_scoped3A : memref<!tpu.dma_semaphore, #tpu.memory_space<semaphore_mem>>)
      %dma_wait3A_294 = arith.constant 0 : i32
      %dma_wait3A_295 = arith.constant 0 : i32
      %dma_wait3A_296 = tpu.memref_slice %arg6[%dma_wait3A_294, %dma_wait3A_295] : memref<640x16xi32, #tpu.memory_space<vmem>> -> memref<40x16xi32, #tpu.memory_space<vmem>>
      %dma_wait3A_297 = arith.constant 0 : i32
      %dma_wait3A_298 = tpu.memref_slice %arg16[%mul3A_13, %dma_wait3A_297] : memref<640x16xi32, #tpu.memory_space<vmem_shared>> -> memref<40x16xi32, #tpu.memory_space<vmem_shared>>
      %dma_wait3A_299 = arith.constant 0 : i32
      %dma_wait3A_300 = tpu.memref_slice %arg16[%mul3A_13, %dma_wait3A_299] : memref<640x16xi32, #tpu.memory_space<vmem_shared>> -> memref<40x16xi32, #tpu.memory_space<vmem_shared>>
      %dma_wait3A_301 = arith.constant 0 : i32
      %dma_wait3A_302 = arith.constant 0 : i32
      %dma_wait3A_303 = tpu.memref_slice %arg6[%dma_wait3A_301, %dma_wait3A_302] : memref<640x16xi32, #tpu.memory_space<vmem>> -> memref<40x16xi32, #tpu.memory_space<vmem>>
      tpu.wait_dma2 semaphore(%run_scoped3A : memref<!tpu.dma_semaphore, #tpu.memory_space<semaphore_mem>>) src(%dma_wait3A_303 : memref<40x16xi32, #tpu.memory_space<vmem>>) dst(%dma_wait3A_300 : memref<40x16xi32, #tpu.memory_space<vmem_shared>>)
      tpu.yield
    }) : () -> ()
    %eq3A = arith.constant 0 : i32
    %eq3A_14 = arith.cmpi eq, %arg1, %eq3A : i32
    %convert_element_type3A = arith.extui %eq3A_14 : i1 to i32
    %cond3A = arith.constant 0 : i32
    %cond3A_15 = arith.cmpi ne, %convert_element_type3A, %cond3A : i32
    scf.if %cond3A_15 {
      %scan3A_284 = arith.constant 0 : i32
      %scan3A_285 = arith.constant 0 : i32
      %scan3A_286 = arith.constant 33 : i32
      %scan3A_287 = arith.addi %scan3A_285, %scan3A_286 : i32
      %scan3A_288 = arith.constant 1 : i32
      %scan3A_289 = scf.for %scan3A_291 = %scan3A_285 to %scan3A_287 step %scan3A_288 iter_args(%scan3A_292 = %scan3A_284) -> (i32)  : i32 {
        %mul3A_293 = arith.constant 16 : i32
        %mul3A_294 = arith.muli %scan3A_291, %mul3A_293 : i32
        %swap3A_295 = arith.index_cast %mul3A_294 : i32 to index
        %swap3A_296 = tpu.vector_load %arg13[%swap3A_295] {strides = array<i32>} : memref<528xi32, #tpu.memory_space<vmem>>, vector<16xi32>,
        tpu.vector_store %arg13[%swap3A_295], %broadcast_in_dim3A_0 {strides = array<i32>} : memref<528xi32, #tpu.memory_space<vmem>>, vector<16xi32>,
        %scan3A_297 = arith.constant 0 : i32
        scf.yield %scan3A_297 : i32
      }
      %scan3A_290 = arith.constant 33 : i32
      "tpu.region"() ({
        %run_scoped3A = tpu.sem_alloc : memref<!tpu.dma_semaphore, #tpu.memory_space<semaphore_mem>>
        tpu.enqueue_dma source(%arg13 : memref<528xi32, #tpu.memory_space<vmem>>) target(%arg17 : memref<528xi32, #tpu.memory_space<vmem_shared>>) target_semaphore(%run_scoped3A : memref<!tpu.dma_semaphore, #tpu.memory_space<semaphore_mem>>)
        tpu.wait_dma2 semaphore(%run_scoped3A : memref<!tpu.dma_semaphore, #tpu.memory_space<semaphore_mem>>) src(%arg13 : memref<528xi32, #tpu.memory_space<vmem>>) dst(%arg17 : memref<528xi32, #tpu.memory_space<vmem_shared>>)
        tpu.yield
      }) : () -> ()
    } else {
    }
    "tpu.trace_stop"() : () -> ()
    "tpu.trace_start"() <{level = 10 : i32, message = "scatter"}> : () -> ()
    %dma_wait3A = arith.constant 0 : i32
    %dma_wait3A_16 = tpu.memref_slice %arg3[%dma_wait3A, %mul3A_3] : memref<2x160000xi32, #tpu.memory_space<hbm>> -> memref<2x10240xi32, #tpu.memory_space<hbm>>
    %dma_wait3A_17 = arith.constant 0 : i32
    %dma_wait3A_18 = tpu.memref_slice %arg3[%dma_wait3A_17, %mul3A_3] : memref<2x160000xi32, #tpu.memory_space<hbm>> -> memref<2x10240xi32, #tpu.memory_space<hbm>>
    tpu.wait_dma2 semaphore(%arg19 : memref<!tpu.dma_semaphore, #tpu.memory_space<semaphore_mem>>) src(%dma_wait3A_18 : memref<2x10240xi32, #tpu.memory_space<hbm>>) dst(%arg5 : memref<2x10240xi32, #tpu.memory_space<vmem>>)
    %parallel_loop3A_19 = arith.constant 0 : i32
    %parallel_loop3A_20 = arith.constant 640 : i32
    %parallel_loop3A_21 = arith.constant 1 : i32
    scf.for %parallel_loop3A_284 = %parallel_loop3A_19 to %parallel_loop3A_20 step %parallel_loop3A_21  : i32 {
      %parallel_loop3A_285 = arith.constant 16 : i32
      %parallel_loop3A_286 = arith.muli %parallel_loop3A_284, %parallel_loop3A_285 : i32
      %parallel_loop3A_287 = arith.constant 0 : i32
      %parallel_loop3A_288 = arith.index_cast %parallel_loop3A_287 : i32 to index
      %parallel_loop3A_289 = arith.index_cast %parallel_loop3A_286 : i32 to index
      %parallel_loop3A_290 = tpu.vector_load %arg5[%parallel_loop3A_288, %parallel_loop3A_289] {strides = array<i32>} : memref<2x10240xi32, #tpu.memory_space<vmem>>, vector<16xi32>,
      %parallel_loop3A_291 = arith.constant 4 : i32
      %parallel_loop3A_292 = vector.broadcast %parallel_loop3A_291 : i32 to vector<16xi32>
      %parallel_loop3A_293 = arith.shrsi %parallel_loop3A_290, %parallel_loop3A_292 : vector<16xi32>
      %parallel_loop3A_294 = arith.constant 15 : i32
      %parallel_loop3A_295 = vector.broadcast %parallel_loop3A_294 : i32 to vector<16xi32>
      %parallel_loop3A_296 = arith.andi %parallel_loop3A_290, %parallel_loop3A_295 : vector<16xi32>
      tpu.vector_store_idx %arg6[%parallel_loop3A_293, %parallel_loop3A_296], %broadcast_in_dim3A_2 : memref<640x16xi32, #tpu.memory_space<vmem>>[vector<16xi32>, vector<16xi32>], vector<16xi32>,
    } {sc.loop_unroll_factor = 8 : i64, sc.parallel_access}
    "tpu.trace_stop"() : () -> ()
    %barrier3A = arith.constant 0 : index
    tpu.barrier barrier_id(%barrier3A)
    %dma_start3A_22 = arith.constant 0 : i32
    "tpu.trace_start"() <{level = 10 : i32, message = "reduce"}> : () -> ()
    %dma_start3A_23 = arith.constant 0 : i32
    %dma_start3A_24 = arith.constant 0 : i32
    %dma_start3A_25 = tpu.memref_slice %arg6[%dma_start3A_23, %dma_start3A_24] : memref<640x16xi32, #tpu.memory_space<vmem>> -> memref<128x16xi32, #tpu.memory_space<vmem>>
    %dma_start3A_26 = arith.constant 0 : i32
    %dma_start3A_27 = tpu.memref_slice %arg12[%dma_start3A_22, %dma_start3A_26] : memref<5x128xi32, #tpu.memory_space<vmem>> -> memref<1x128xi32, #tpu.memory_space<vmem>>
    %dma_start3A_28 = tpu.memref_squeeze %dma_start3A_27 : memref<1x128xi32, #tpu.memory_space<vmem>> -> memref<128xi32, #tpu.memory_space<vmem>>
    %dma_start3A_29 = arith.constant 0 : i32
    %dma_start3A_30 = arith.constant 0 : i32
    %dma_start3A_31 = tpu.memref_slice %arg16[%dma_start3A_29, %dma_start3A_30] : memref<640x16xi32, #tpu.memory_space<vmem_shared>> -> memref<640x16xi32, #tpu.memory_space<vmem_shared>>
    tpu.enqueue_indirect_dma source(%dma_start3A_25 : memref<128x16xi32, #tpu.memory_space<vmem>>) target(%dma_start3A_31 : memref<640x16xi32, #tpu.memory_space<vmem_shared>>) offsets(%dma_start3A_28 : memref<128xi32, #tpu.memory_space<vmem>>) semaphore(%arg19 : memref<!tpu.dma_semaphore, #tpu.memory_space<semaphore_mem>>) {add = true}
    %dma_start3A_32 = arith.constant 1 : i32
    %dma_start3A_33 = arith.constant 128 : i32
    %dma_start3A_34 = arith.constant 0 : i32
    %dma_start3A_35 = tpu.memref_slice %arg6[%dma_start3A_33, %dma_start3A_34] : memref<640x16xi32, #tpu.memory_space<vmem>> -> memref<128x16xi32, #tpu.memory_space<vmem>>
    %dma_start3A_36 = arith.constant 0 : i32
    %dma_start3A_37 = tpu.memref_slice %arg12[%dma_start3A_32, %dma_start3A_36] : memref<5x128xi32, #tpu.memory_space<vmem>> -> memref<1x128xi32, #tpu.memory_space<vmem>>
    %dma_start3A_38 = tpu.memref_squeeze %dma_start3A_37 : memref<1x128xi32, #tpu.memory_space<vmem>> -> memref<128xi32, #tpu.memory_space<vmem>>
    %dma_start3A_39 = arith.constant 0 : i32
    %dma_start3A_40 = arith.constant 0 : i32
    %dma_start3A_41 = tpu.memref_slice %arg16[%dma_start3A_39, %dma_start3A_40] : memref<640x16xi32, #tpu.memory_space<vmem_shared>> -> memref<640x16xi32, #tpu.memory_space<vmem_shared>>
    tpu.enqueue_indirect_dma source(%dma_start3A_35 : memref<128x16xi32, #tpu.memory_space<vmem>>) target(%dma_start3A_41 : memref<640x16xi32, #tpu.memory_space<vmem_shared>>) offsets(%dma_start3A_38 : memref<128xi32, #tpu.memory_space<vmem>>) semaphore(%arg19 : memref<!tpu.dma_semaphore, #tpu.memory_space<semaphore_mem>>) {add = true}
    %dma_start3A_42 = arith.constant 2 : i32
    %dma_start3A_43 = arith.constant 256 : i32
    %dma_start3A_44 = arith.constant 0 : i32
    %dma_start3A_45 = tpu.memref_slice %arg6[%dma_start3A_43, %dma_start3A_44] : memref<640x16xi32, #tpu.memory_space<vmem>> -> memref<128x16xi32, #tpu.memory_space<vmem>>
    %dma_start3A_46 = arith.constant 0 : i32
    %dma_start3A_47 = tpu.memref_slice %arg12[%dma_start3A_42, %dma_start3A_46] : memref<5x128xi32, #tpu.memory_space<vmem>> -> memref<1x128xi32, #tpu.memory_space<vmem>>
    %dma_start3A_48 = tpu.memref_squeeze %dma_start3A_47 : memref<1x128xi32, #tpu.memory_space<vmem>> -> memref<128xi32, #tpu.memory_space<vmem>>
    %dma_start3A_49 = arith.constant 0 : i32
    %dma_start3A_50 = arith.constant 0 : i32
    %dma_start3A_51 = tpu.memref_slice %arg16[%dma_start3A_49, %dma_start3A_50] : memref<640x16xi32, #tpu.memory_space<vmem_shared>> -> memref<640x16xi32, #tpu.memory_space<vmem_shared>>
    tpu.enqueue_indirect_dma source(%dma_start3A_45 : memref<128x16xi32, #tpu.memory_space<vmem>>) target(%dma_start3A_51 : memref<640x16xi32, #tpu.memory_space<vmem_shared>>) offsets(%dma_start3A_48 : memref<128xi32, #tpu.memory_space<vmem>>) semaphore(%arg19 : memref<!tpu.dma_semaphore, #tpu.memory_space<semaphore_mem>>) {add = true}
    %dma_start3A_52 = arith.constant 3 : i32
    %dma_start3A_53 = arith.constant 384 : i32
    %dma_start3A_54 = arith.constant 0 : i32
    %dma_start3A_55 = tpu.memref_slice %arg6[%dma_start3A_53, %dma_start3A_54] : memref<640x16xi32, #tpu.memory_space<vmem>> -> memref<128x16xi32, #tpu.memory_space<vmem>>
    %dma_start3A_56 = arith.constant 0 : i32
    %dma_start3A_57 = tpu.memref_slice %arg12[%dma_start3A_52, %dma_start3A_56] : memref<5x128xi32, #tpu.memory_space<vmem>> -> memref<1x128xi32, #tpu.memory_space<vmem>>
    %dma_start3A_58 = tpu.memref_squeeze %dma_start3A_57 : memref<1x128xi32, #tpu.memory_space<vmem>> -> memref<128xi32, #tpu.memory_space<vmem>>
    %dma_start3A_59 = arith.constant 0 : i32
    %dma_start3A_60 = arith.constant 0 : i32
    %dma_start3A_61 = tpu.memref_slice %arg16[%dma_start3A_59, %dma_start3A_60] : memref<640x16xi32, #tpu.memory_space<vmem_shared>> -> memref<640x16xi32, #tpu.memory_space<vmem_shared>>
    tpu.enqueue_indirect_dma source(%dma_start3A_55 : memref<128x16xi32, #tpu.memory_space<vmem>>) target(%dma_start3A_61 : memref<640x16xi32, #tpu.memory_space<vmem_shared>>) offsets(%dma_start3A_58 : memref<128xi32, #tpu.memory_space<vmem>>) semaphore(%arg19 : memref<!tpu.dma_semaphore, #tpu.memory_space<semaphore_mem>>) {add = true}
    %dma_start3A_62 = arith.constant 4 : i32
    %dma_start3A_63 = arith.constant 512 : i32
    %dma_start3A_64 = arith.constant 0 : i32
    %dma_start3A_65 = tpu.memref_slice %arg6[%dma_start3A_63, %dma_start3A_64] : memref<640x16xi32, #tpu.memory_space<vmem>> -> memref<128x16xi32, #tpu.memory_space<vmem>>
    %dma_start3A_66 = arith.constant 0 : i32
    %dma_start3A_67 = tpu.memref_slice %arg12[%dma_start3A_62, %dma_start3A_66] : memref<5x128xi32, #tpu.memory_space<vmem>> -> memref<1x128xi32, #tpu.memory_space<vmem>>
    %dma_start3A_68 = tpu.memref_squeeze %dma_start3A_67 : memref<1x128xi32, #tpu.memory_space<vmem>> -> memref<128xi32, #tpu.memory_space<vmem>>
    %dma_start3A_69 = arith.constant 0 : i32
    %dma_start3A_70 = arith.constant 0 : i32
    %dma_start3A_71 = tpu.memref_slice %arg16[%dma_start3A_69, %dma_start3A_70] : memref<640x16xi32, #tpu.memory_space<vmem_shared>> -> memref<640x16xi32, #tpu.memory_space<vmem_shared>>
    tpu.enqueue_indirect_dma source(%dma_start3A_65 : memref<128x16xi32, #tpu.memory_space<vmem>>) target(%dma_start3A_71 : memref<640x16xi32, #tpu.memory_space<vmem_shared>>) offsets(%dma_start3A_68 : memref<128xi32, #tpu.memory_space<vmem>>) semaphore(%arg19 : memref<!tpu.dma_semaphore, #tpu.memory_space<semaphore_mem>>) {add = true}
    %dma_wait3A_72 = arith.constant 0 : i32
    %dma_wait3A_73 = arith.constant 0 : i32
    %dma_wait3A_74 = arith.constant 0 : i32
    %dma_wait3A_75 = tpu.memref_slice %arg6[%dma_wait3A_73, %dma_wait3A_74] : memref<640x16xi32, #tpu.memory_space<vmem>> -> memref<128x16xi32, #tpu.memory_space<vmem>>
    %dma_wait3A_76 = arith.constant 0 : i32
    %dma_wait3A_77 = tpu.memref_slice %arg12[%dma_wait3A_72, %dma_wait3A_76] : memref<5x128xi32, #tpu.memory_space<vmem>> -> memref<1x128xi32, #tpu.memory_space<vmem>>
    %dma_wait3A_78 = tpu.memref_squeeze %dma_wait3A_77 : memref<1x128xi32, #tpu.memory_space<vmem>> -> memref<128xi32, #tpu.memory_space<vmem>>
    %dma_wait3A_79 = arith.constant 0 : i32
    %dma_wait3A_80 = arith.constant 0 : i32
    %dma_wait3A_81 = tpu.memref_slice %arg16[%dma_wait3A_79, %dma_wait3A_80] : memref<640x16xi32, #tpu.memory_space<vmem_shared>> -> memref<640x16xi32, #tpu.memory_space<vmem_shared>>
    tpu.wait_indirect_dma semaphore(%arg19 : memref<!tpu.dma_semaphore, #tpu.memory_space<semaphore_mem>>) src(%dma_wait3A_75 : memref<128x16xi32, #tpu.memory_space<vmem>>) dst(%dma_wait3A_81 : memref<640x16xi32, #tpu.memory_space<vmem_shared>>)
    %dma_wait3A_82 = arith.constant 1 : i32
    %dma_wait3A_83 = arith.constant 128 : i32
    %dma_wait3A_84 = arith.constant 0 : i32
    %dma_wait3A_85 = tpu.memref_slice %arg6[%dma_wait3A_83, %dma_wait3A_84] : memref<640x16xi32, #tpu.memory_space<vmem>> -> memref<128x16xi32, #tpu.memory_space<vmem>>
    %dma_wait3A_86 = arith.constant 0 : i32
    %dma_wait3A_87 = tpu.memref_slice %arg12[%dma_wait3A_82, %dma_wait3A_86] : memref<5x128xi32, #tpu.memory_space<vmem>> -> memref<1x128xi32, #tpu.memory_space<vmem>>
    %dma_wait3A_88 = tpu.memref_squeeze %dma_wait3A_87 : memref<1x128xi32, #tpu.memory_space<vmem>> -> memref<128xi32, #tpu.memory_space<vmem>>
    %dma_wait3A_89 = arith.constant 0 : i32
    %dma_wait3A_90 = arith.constant 0 : i32
    %dma_wait3A_91 = tpu.memref_slice %arg16[%dma_wait3A_89, %dma_wait3A_90] : memref<640x16xi32, #tpu.memory_space<vmem_shared>> -> memref<640x16xi32, #tpu.memory_space<vmem_shared>>
    tpu.wait_indirect_dma semaphore(%arg19 : memref<!tpu.dma_semaphore, #tpu.memory_space<semaphore_mem>>) src(%dma_wait3A_85 : memref<128x16xi32, #tpu.memory_space<vmem>>) dst(%dma_wait3A_91 : memref<640x16xi32, #tpu.memory_space<vmem_shared>>)
    %dma_wait3A_92 = arith.constant 2 : i32
    %dma_wait3A_93 = arith.constant 256 : i32
    %dma_wait3A_94 = arith.constant 0 : i32
    %dma_wait3A_95 = tpu.memref_slice %arg6[%dma_wait3A_93, %dma_wait3A_94] : memref<640x16xi32, #tpu.memory_space<vmem>> -> memref<128x16xi32, #tpu.memory_space<vmem>>
    %dma_wait3A_96 = arith.constant 0 : i32
    %dma_wait3A_97 = tpu.memref_slice %arg12[%dma_wait3A_92, %dma_wait3A_96] : memref<5x128xi32, #tpu.memory_space<vmem>> -> memref<1x128xi32, #tpu.memory_space<vmem>>
    %dma_wait3A_98 = tpu.memref_squeeze %dma_wait3A_97 : memref<1x128xi32, #tpu.memory_space<vmem>> -> memref<128xi32, #tpu.memory_space<vmem>>
    %dma_wait3A_99 = arith.constant 0 : i32
    %dma_wait3A_100 = arith.constant 0 : i32
    %dma_wait3A_101 = tpu.memref_slice %arg16[%dma_wait3A_99, %dma_wait3A_100] : memref<640x16xi32, #tpu.memory_space<vmem_shared>> -> memref<640x16xi32, #tpu.memory_space<vmem_shared>>
    tpu.wait_indirect_dma semaphore(%arg19 : memref<!tpu.dma_semaphore, #tpu.memory_space<semaphore_mem>>) src(%dma_wait3A_95 : memref<128x16xi32, #tpu.memory_space<vmem>>) dst(%dma_wait3A_101 : memref<640x16xi32, #tpu.memory_space<vmem_shared>>)
    %dma_wait3A_102 = arith.constant 3 : i32
    %dma_wait3A_103 = arith.constant 384 : i32
    %dma_wait3A_104 = arith.constant 0 : i32
    %dma_wait3A_105 = tpu.memref_slice %arg6[%dma_wait3A_103, %dma_wait3A_104] : memref<640x16xi32, #tpu.memory_space<vmem>> -> memref<128x16xi32, #tpu.memory_space<vmem>>
    %dma_wait3A_106 = arith.constant 0 : i32
    %dma_wait3A_107 = tpu.memref_slice %arg12[%dma_wait3A_102, %dma_wait3A_106] : memref<5x128xi32, #tpu.memory_space<vmem>> -> memref<1x128xi32, #tpu.memory_space<vmem>>
    %dma_wait3A_108 = tpu.memref_squeeze %dma_wait3A_107 : memref<1x128xi32, #tpu.memory_space<vmem>> -> memref<128xi32, #tpu.memory_space<vmem>>
    %dma_wait3A_109 = arith.constant 0 : i32
    %dma_wait3A_110 = arith.constant 0 : i32
    %dma_wait3A_111 = tpu.memref_slice %arg16[%dma_wait3A_109, %dma_wait3A_110] : memref<640x16xi32, #tpu.memory_space<vmem_shared>> -> memref<640x16xi32, #tpu.memory_space<vmem_shared>>
    tpu.wait_indirect_dma semaphore(%arg19 : memref<!tpu.dma_semaphore, #tpu.memory_space<semaphore_mem>>) src(%dma_wait3A_105 : memref<128x16xi32, #tpu.memory_space<vmem>>) dst(%dma_wait3A_111 : memref<640x16xi32, #tpu.memory_space<vmem_shared>>)
    %dma_wait3A_112 = arith.constant 4 : i32
    %dma_wait3A_113 = arith.constant 512 : i32
    %dma_wait3A_114 = arith.constant 0 : i32
    %dma_wait3A_115 = tpu.memref_slice %arg6[%dma_wait3A_113, %dma_wait3A_114] : memref<640x16xi32, #tpu.memory_space<vmem>> -> memref<128x16xi32, #tpu.memory_space<vmem>>
    %dma_wait3A_116 = arith.constant 0 : i32
    %dma_wait3A_117 = tpu.memref_slice %arg12[%dma_wait3A_112, %dma_wait3A_116] : memref<5x128xi32, #tpu.memory_space<vmem>> -> memref<1x128xi32, #tpu.memory_space<vmem>>
    %dma_wait3A_118 = tpu.memref_squeeze %dma_wait3A_117 : memref<1x128xi32, #tpu.memory_space<vmem>> -> memref<128xi32, #tpu.memory_space<vmem>>
    %dma_wait3A_119 = arith.constant 0 : i32
    %dma_wait3A_120 = arith.constant 0 : i32
    %dma_wait3A_121 = tpu.memref_slice %arg16[%dma_wait3A_119, %dma_wait3A_120] : memref<640x16xi32, #tpu.memory_space<vmem_shared>> -> memref<640x16xi32, #tpu.memory_space<vmem_shared>>
    tpu.wait_indirect_dma semaphore(%arg19 : memref<!tpu.dma_semaphore, #tpu.memory_space<semaphore_mem>>) src(%dma_wait3A_115 : memref<128x16xi32, #tpu.memory_space<vmem>>) dst(%dma_wait3A_121 : memref<640x16xi32, #tpu.memory_space<vmem_shared>>)
    "tpu.trace_stop"() : () -> ()
    %barrier3A_122 = arith.constant 0 : index
    tpu.barrier barrier_id(%barrier3A_122)
    "tpu.trace_start"() <{level = 10 : i32, message = "counts"}> : () -> ()
    %mul3A_123 = arith.constant 40 : i32
    %mul3A_124 = arith.muli %arg1, %mul3A_123 : i32
    "tpu.region"() ({
      %run_scoped3A = tpu.sem_alloc : memref<!tpu.dma_semaphore, #tpu.memory_space<semaphore_mem>>
      %dma_start3A_284 = arith.constant 0 : i32
      %dma_start3A_285 = tpu.memref_slice %arg16[%mul3A_124, %dma_start3A_284] : memref<640x16xi32, #tpu.memory_space<vmem_shared>> -> memref<40x16xi32, #tpu.memory_space<vmem_shared>>
      %dma_start3A_286 = arith.constant 0 : i32
      %dma_start3A_287 = tpu.memref_slice %arg16[%mul3A_124, %dma_start3A_286] : memref<640x16xi32, #tpu.memory_space<vmem_shared>> -> memref<40x16xi32, #tpu.memory_space<vmem_shared>>
      tpu.enqueue_dma source(%dma_start3A_287 : memref<40x16xi32, #tpu.memory_space<vmem_shared>>) target(%arg7 : memref<40x16xi32, #tpu.memory_space<vmem>>) target_semaphore(%run_scoped3A : memref<!tpu.dma_semaphore, #tpu.memory_space<semaphore_mem>>)
      %dma_wait3A_288 = arith.constant 0 : i32
      %dma_wait3A_289 = tpu.memref_slice %arg16[%mul3A_124, %dma_wait3A_288] : memref<640x16xi32, #tpu.memory_space<vmem_shared>> -> memref<40x16xi32, #tpu.memory_space<vmem_shared>>
      %dma_wait3A_290 = arith.constant 0 : i32
      %dma_wait3A_291 = tpu.memref_slice %arg16[%mul3A_124, %dma_wait3A_290] : memref<640x16xi32, #tpu.memory_space<vmem_shared>> -> memref<40x16xi32, #tpu.memory_space<vmem_shared>>
      tpu.wait_dma2 semaphore(%run_scoped3A : memref<!tpu.dma_semaphore, #tpu.memory_space<semaphore_mem>>) src(%dma_wait3A_291 : memref<40x16xi32, #tpu.memory_space<vmem_shared>>) dst(%arg7 : memref<40x16xi32, #tpu.memory_space<vmem>>)
      tpu.yield
    }) : () -> ()
    %scan3A = arith.constant 0 : i32
    %scan3A_125 = arith.constant 40 : i32
    %scan3A_126 = arith.addi %scan3A, %scan3A_125 : i32
    %scan3A_127 = arith.constant 1 : i32
    %scan3A_128 = scf.for %scan3A_284 = %scan3A to %scan3A_126 step %scan3A_127 iter_args(%scan3A_285 = %broadcast_in_dim3A_0) -> (vector<16xi32>)  : i32 {
      %get3A = arith.index_cast %scan3A_284 : i32 to index
      %get3A_286 = arith.constant 0 : index
      %get3A_287 = tpu.vector_load %arg7[%get3A, %get3A_286] {strides = array<i32>} : memref<40x16xi32, #tpu.memory_space<vmem>>, vector<16xi32>,
      %min3A = arith.constant 1 : i32
      %min3A_288 = vector.broadcast %min3A : i32 to vector<16xi32>
      %min3A_289 = arith.minsi %get3A_287, %min3A_288 : vector<16xi32>
      %add3A = arith.addi %scan3A_285, %min3A_289 : vector<16xi32>
      scf.yield %add3A : vector<16xi32>
    }
    %scan3A_129 = arith.constant 40 : i32
    %reduce_sum3A = arith.constant true
    %reduce_sum3A_130 = vector.broadcast %reduce_sum3A : i1 to vector<16xi1>
    %reduce_sum3A_131 = tpu.scan <sum>, %scan3A_128 masked %reduce_sum3A_130 : vector<16xi32>, vector<16xi1> -> vector<16xi32>
    %reduce_sum3A_132 = vector.extract %reduce_sum3A_131[15] : i32 from vector<16xi32>
    %broadcast_in_dim3A_133 = vector.broadcast %reduce_sum3A_132 : i32 to vector<16xi32>
    %swap3A = arith.constant 0 : index
    %swap3A_134 = tpu.vector_load %arg8[%swap3A] {strides = array<i32>} : memref<16xi32, #tpu.memory_space<vmem>>, vector<16xi32>,
    tpu.vector_store %arg8[%swap3A], %broadcast_in_dim3A_133 {strides = array<i32>} : memref<16xi32, #tpu.memory_space<vmem>>, vector<16xi32>,
    "tpu.region"() ({
      %run_scoped3A = tpu.sem_alloc : memref<!tpu.dma_semaphore, #tpu.memory_space<semaphore_mem>>
      %dma_start3A_284 = arith.constant 0 : i32
      %dma_start3A_285 = tpu.memref_slice %arg18[%arg1, %dma_start3A_284] : memref<16x16xi32, #tpu.memory_space<vmem_shared>> -> memref<1x16xi32, #tpu.memory_space<vmem_shared>>
      %dma_start3A_286 = tpu.memref_squeeze %dma_start3A_285 : memref<1x16xi32, #tpu.memory_space<vmem_shared>> -> memref<16xi32, #tpu.memory_space<vmem_shared>>
      %dma_start3A_287 = arith.constant 0 : i32
      %dma_start3A_288 = tpu.memref_slice %arg18[%arg1, %dma_start3A_287] : memref<16x16xi32, #tpu.memory_space<vmem_shared>> -> memref<1x16xi32, #tpu.memory_space<vmem_shared>>
      %dma_start3A_289 = tpu.memref_squeeze %dma_start3A_288 : memref<1x16xi32, #tpu.memory_space<vmem_shared>> -> memref<16xi32, #tpu.memory_space<vmem_shared>>
      tpu.enqueue_dma source(%arg8 : memref<16xi32, #tpu.memory_space<vmem>>) target(%dma_start3A_289 : memref<16xi32, #tpu.memory_space<vmem_shared>>) target_semaphore(%run_scoped3A : memref<!tpu.dma_semaphore, #tpu.memory_space<semaphore_mem>>)
      %dma_wait3A_290 = arith.constant 0 : i32
      %dma_wait3A_291 = tpu.memref_slice %arg18[%arg1, %dma_wait3A_290] : memref<16x16xi32, #tpu.memory_space<vmem_shared>> -> memref<1x16xi32, #tpu.memory_space<vmem_shared>>
      %dma_wait3A_292 = tpu.memref_squeeze %dma_wait3A_291 : memref<1x16xi32, #tpu.memory_space<vmem_shared>> -> memref<16xi32, #tpu.memory_space<vmem_shared>>
      %dma_wait3A_293 = arith.constant 0 : i32
      %dma_wait3A_294 = tpu.memref_slice %arg18[%arg1, %dma_wait3A_293] : memref<16x16xi32, #tpu.memory_space<vmem_shared>> -> memref<1x16xi32, #tpu.memory_space<vmem_shared>>
      %dma_wait3A_295 = tpu.memref_squeeze %dma_wait3A_294 : memref<1x16xi32, #tpu.memory_space<vmem_shared>> -> memref<16xi32, #tpu.memory_space<vmem_shared>>
      tpu.wait_dma2 semaphore(%run_scoped3A : memref<!tpu.dma_semaphore, #tpu.memory_space<semaphore_mem>>) src(%arg8 : memref<16xi32, #tpu.memory_space<vmem>>) dst(%dma_wait3A_295 : memref<16xi32, #tpu.memory_space<vmem_shared>>)
      tpu.yield
    }) : () -> ()
    "tpu.trace_stop"() : () -> ()
    %barrier3A_135 = arith.constant 0 : index
    tpu.barrier barrier_id(%barrier3A_135)
    "tpu.trace_start"() <{level = 10 : i32, message = "compact"}> : () -> ()
    "tpu.region"() ({
      %run_scoped3A = tpu.sem_alloc : memref<!tpu.dma_semaphore, #tpu.memory_space<semaphore_mem>>
      tpu.enqueue_dma source(%arg18 : memref<16x16xi32, #tpu.memory_space<vmem_shared>>) target(%arg9 : memref<16x16xi32, #tpu.memory_space<vmem>>) target_semaphore(%run_scoped3A : memref<!tpu.dma_semaphore, #tpu.memory_space<semaphore_mem>>)
      tpu.wait_dma2 semaphore(%run_scoped3A : memref<!tpu.dma_semaphore, #tpu.memory_space<semaphore_mem>>) src(%arg18 : memref<16x16xi32, #tpu.memory_space<vmem_shared>>) dst(%arg9 : memref<16x16xi32, #tpu.memory_space<vmem>>)
      tpu.yield
    }) : () -> ()
    %gather3A = tpu.vector_load_idx %arg9[%iota3A, %iota3A] : memref<16x16xi32, #tpu.memory_space<vmem>>[vector<16xi32>, vector<16xi32>], vector<16xi32>,
    %lt3A = vector.broadcast %arg1 : i32 to vector<16xi32>
    %lt3A_136 = arith.cmpi slt, %iota3A, %lt3A : vector<16xi32>
    %jit3A = arith.constant 0 : i32
    %broadcast_in_dim3A_137 = vector.broadcast %jit3A : i32 to vector<16xi32>
    %select_n3A = arith.select %lt3A_136, %gather3A, %broadcast_in_dim3A_137 : vector<16xi1>, vector<16xi32>
    %reduce_sum3A_138 = arith.constant true
    %reduce_sum3A_139 = vector.broadcast %reduce_sum3A_138 : i1 to vector<16xi1>
    %reduce_sum3A_140 = tpu.scan <sum>, %select_n3A masked %reduce_sum3A_139 : vector<16xi32>, vector<16xi1> -> vector<16xi32>
    %reduce_sum3A_141 = vector.extract %reduce_sum3A_140[15] : i32 from vector<16xi32>
    %scan3A_142 = arith.constant 0 : i32
    %scan3A_143 = arith.constant 0 : i32
    %scan3A_144 = arith.constant 8 : i32
    %scan3A_145 = arith.addi %scan3A_143, %scan3A_144 : i32
    %scan3A_146 = arith.constant 1 : i32
    %scan3A_147 = scf.for %scan3A_284 = %scan3A_143 to %scan3A_145 step %scan3A_146 iter_args(%scan3A_285 = %scan3A_142) -> (i32)  : i32 {
      %add3A = arith.constant 0 : i32
      %add3A_286 = arith.addi %add3A, %scan3A_284 : i32
      %get3A = arith.index_cast %add3A_286 : i32 to index
      %get3A_287 = arith.constant 0 : index
      %get3A_288 = tpu.vector_load %arg7[%get3A, %get3A_287] {strides = array<i32>} : memref<40x16xi32, #tpu.memory_space<vmem>>, vector<16xi32>,
      %gt3A = arith.constant 0 : i32
      %gt3A_289 = vector.broadcast %gt3A : i32 to vector<16xi32>
      %gt3A_290 = arith.cmpi sgt, %get3A_288, %gt3A_289 : vector<16xi32>
      %convert_element_type3A_291 = arith.extui %gt3A_290 : vector<16xi1> to vector<16xi32>
      %broadcast_in_dim3A_292 = arith.constant true
      %broadcast_in_dim3A_293 = vector.broadcast %broadcast_in_dim3A_292 : i1 to vector<16xi1>
      %masked_cumsum3A = tpu.scan <sum>, %convert_element_type3A_291 masked %broadcast_in_dim3A_293 : vector<16xi32>, vector<16xi1> -> vector<16xi32>
      %add3A_294 = arith.addi %reduce_sum3A_141, %scan3A_285 : i32
      %add3A_295 = vector.broadcast %add3A_294 : i32 to vector<16xi32>
      %add3A_296 = arith.addi %add3A_295, %masked_cumsum3A : vector<16xi32>
      %sub3A = arith.constant 1 : i32
      %sub3A_297 = vector.broadcast %sub3A : i32 to vector<16xi32>
      %sub3A_298 = arith.subi %add3A_296, %sub3A_297 : vector<16xi32>
      %mul3A_299 = arith.constant 640 : i32
      %mul3A_300 = arith.muli %arg1, %mul3A_299 : i32
      %mul3A_301 = arith.constant 16 : i32
      %mul3A_302 = arith.muli %add3A_286, %mul3A_301 : i32
      %add3A_303 = arith.addi %mul3A_300, %mul3A_302 : i32
      %add3A_304 = vector.broadcast %add3A_303 : i32 to vector<16xi32>
      %add3A_305 = arith.addi %add3A_304, %iota3A : vector<16xi32>
      %lt3A_306 = arith.constant 500 : i32
      %lt3A_307 = vector.broadcast %lt3A_306 : i32 to vector<16xi32>
      %lt3A_308 = arith.cmpi slt, %sub3A_298, %lt3A_307 : vector<16xi32>
      %and3A = arith.andi %gt3A_290, %lt3A_308 : vector<16xi1>
      %add3A_309 = arith.constant 512 : i32
      %add3A_310 = vector.broadcast %add3A_309 : i32 to vector<16xi32>
      %add3A_311 = arith.addi %add3A_310, %iota3A : vector<16xi32>
      %select_n3A_312 = arith.select %and3A, %sub3A_298, %add3A_311 : vector<16xi1>, vector<16xi32>
      %mul3A_313 = arith.constant 16 : i32
      %mul3A_314 = arith.muli %scan3A_284, %mul3A_313 : i32
      %swap3A_315 = arith.constant 0 : i32
      %swap3A_316 = arith.index_cast %swap3A_315 : i32 to index
      %swap3A_317 = arith.index_cast %mul3A_314 : i32 to index
      %swap3A_318 = tpu.vector_load %arg10[%swap3A_316, %swap3A_317] {strides = array<i32>} : memref<5x128xi32, #tpu.memory_space<vmem>>, vector<16xi32>,
      tpu.vector_store %arg10[%swap3A_316, %swap3A_317], %select_n3A_312 {strides = array<i32>} : memref<5x128xi32, #tpu.memory_space<vmem>>, vector<16xi32>,
      %jit3A_319 = arith.constant 0 : i32
      %broadcast_in_dim3A_320 = vector.broadcast %jit3A_319 : i32 to vector<16xi32>
      %select_n3A_321 = arith.select %and3A, %add3A_305, %broadcast_in_dim3A_320 : vector<16xi1>, vector<16xi32>
      %mul3A_322 = arith.constant 16 : i32
      %mul3A_323 = arith.muli %scan3A_284, %mul3A_322 : i32
      %swap3A_324 = arith.constant 0 : i32
      %swap3A_325 = arith.index_cast %swap3A_324 : i32 to index
      %swap3A_326 = arith.index_cast %mul3A_323 : i32 to index
      %swap3A_327 = tpu.vector_load %arg11[%swap3A_325, %swap3A_326] {strides = array<i32>} : memref<5x128xi32, #tpu.memory_space<vmem>>, vector<16xi32>,
      tpu.vector_store %arg11[%swap3A_325, %swap3A_326], %select_n3A_321 {strides = array<i32>} : memref<5x128xi32, #tpu.memory_space<vmem>>, vector<16xi32>,
      %slice3A = vector.extract_strided_slice %masked_cumsum3A {offsets = [15], sizes = [1], strides = [1]} : vector<16xi32> to vector<1xi32>
      %squeeze3A = vector.extract %slice3A[0] : i32 from vector<1xi32>
      %add3A_328 = arith.addi %scan3A_285, %squeeze3A : i32
      scf.yield %add3A_328 : i32
    }
    %scan3A_148 = arith.constant 8 : i32
    %dma_start3A_149 = arith.constant 0 : i32
    %dma_start3A_150 = arith.constant 0 : i32
    %dma_start3A_151 = arith.constant 0 : i32
    %dma_start3A_152 = tpu.memref_slice %arg11[%dma_start3A_149, %dma_start3A_151] : memref<5x128xi32, #tpu.memory_space<vmem>> -> memref<1x128xi32, #tpu.memory_space<vmem>>
    %dma_start3A_153 = tpu.memref_squeeze %dma_start3A_152 : memref<1x128xi32, #tpu.memory_space<vmem>> -> memref<128xi32, #tpu.memory_space<vmem>>
    %dma_start3A_154 = arith.constant 0 : i32
    %dma_start3A_155 = tpu.memref_slice %arg10[%dma_start3A_150, %dma_start3A_154] : memref<5x128xi32, #tpu.memory_space<vmem>> -> memref<1x128xi32, #tpu.memory_space<vmem>>
    %dma_start3A_156 = tpu.memref_squeeze %dma_start3A_155 : memref<1x128xi32, #tpu.memory_space<vmem>> -> memref<128xi32, #tpu.memory_space<vmem>>
    %dma_start3A_157 = arith.constant 0 : i32
    %dma_start3A_158 = tpu.memref_slice %arg17[%dma_start3A_157] : memref<528xi32, #tpu.memory_space<vmem_shared>> -> memref<528xi32, #tpu.memory_space<vmem_shared>>
    tpu.enqueue_indirect_dma source(%dma_start3A_153 : memref<128xi32, #tpu.memory_space<vmem>>) target(%dma_start3A_158 : memref<528xi32, #tpu.memory_space<vmem_shared>>) offsets(%dma_start3A_156 : memref<128xi32, #tpu.memory_space<vmem>>) semaphore(%arg19 : memref<!tpu.dma_semaphore, #tpu.memory_space<semaphore_mem>>)
    %scan3A_159 = arith.constant 0 : i32
    %scan3A_160 = arith.constant 8 : i32
    %scan3A_161 = arith.addi %scan3A_159, %scan3A_160 : i32
    %scan3A_162 = arith.constant 1 : i32
    %scan3A_163 = scf.for %scan3A_284 = %scan3A_159 to %scan3A_161 step %scan3A_162 iter_args(%scan3A_285 = %scan3A_147) -> (i32)  : i32 {
      %add3A = arith.constant 8 : i32
      %add3A_286 = arith.addi %add3A, %scan3A_284 : i32
      %get3A = arith.index_cast %add3A_286 : i32 to index
      %get3A_287 = arith.constant 0 : index
      %get3A_288 = tpu.vector_load %arg7[%get3A, %get3A_287] {strides = array<i32>} : memref<40x16xi32, #tpu.memory_space<vmem>>, vector<16xi32>,
      %gt3A = arith.constant 0 : i32
      %gt3A_289 = vector.broadcast %gt3A : i32 to vector<16xi32>
      %gt3A_290 = arith.cmpi sgt, %get3A_288, %gt3A_289 : vector<16xi32>
      %convert_element_type3A_291 = arith.extui %gt3A_290 : vector<16xi1> to vector<16xi32>
      %broadcast_in_dim3A_292 = arith.constant true
      %broadcast_in_dim3A_293 = vector.broadcast %broadcast_in_dim3A_292 : i1 to vector<16xi1>
      %masked_cumsum3A = tpu.scan <sum>, %convert_element_type3A_291 masked %broadcast_in_dim3A_293 : vector<16xi32>, vector<16xi1> -> vector<16xi32>
      %add3A_294 = arith.addi %reduce_sum3A_141, %scan3A_285 : i32
      %add3A_295 = vector.broadcast %add3A_294 : i32 to vector<16xi32>
      %add3A_296 = arith.addi %add3A_295, %masked_cumsum3A : vector<16xi32>
      %sub3A = arith.constant 1 : i32
      %sub3A_297 = vector.broadcast %sub3A : i32 to vector<16xi32>
      %sub3A_298 = arith.subi %add3A_296, %sub3A_297 : vector<16xi32>
      %mul3A_299 = arith.constant 640 : i32
      %mul3A_300 = arith.muli %arg1, %mul3A_299 : i32
      %mul3A_301 = arith.constant 16 : i32
      %mul3A_302 = arith.muli %add3A_286, %mul3A_301 : i32
      %add3A_303 = arith.addi %mul3A_300, %mul3A_302 : i32
      %add3A_304 = vector.broadcast %add3A_303 : i32 to vector<16xi32>
      %add3A_305 = arith.addi %add3A_304, %iota3A : vector<16xi32>
      %lt3A_306 = arith.constant 500 : i32
      %lt3A_307 = vector.broadcast %lt3A_306 : i32 to vector<16xi32>
      %lt3A_308 = arith.cmpi slt, %sub3A_298, %lt3A_307 : vector<16xi32>
      %and3A = arith.andi %gt3A_290, %lt3A_308 : vector<16xi1>
      %add3A_309 = arith.constant 512 : i32
      %add3A_310 = vector.broadcast %add3A_309 : i32 to vector<16xi32>
      %add3A_311 = arith.addi %add3A_310, %iota3A : vector<16xi32>
      %select_n3A_312 = arith.select %and3A, %sub3A_298, %add3A_311 : vector<16xi1>, vector<16xi32>
      %mul3A_313 = arith.constant 16 : i32
      %mul3A_314 = arith.muli %scan3A_284, %mul3A_313 : i32
      %swap3A_315 = arith.constant 1 : i32
      %swap3A_316 = arith.index_cast %swap3A_315 : i32 to index
      %swap3A_317 = arith.index_cast %mul3A_314 : i32 to index
      %swap3A_318 = tpu.vector_load %arg10[%swap3A_316, %swap3A_317] {strides = array<i32>} : memref<5x128xi32, #tpu.memory_space<vmem>>, vector<16xi32>,
      tpu.vector_store %arg10[%swap3A_316, %swap3A_317], %select_n3A_312 {strides = array<i32>} : memref<5x128xi32, #tpu.memory_space<vmem>>, vector<16xi32>,
      %jit3A_319 = arith.constant 0 : i32
      %broadcast_in_dim3A_320 = vector.broadcast %jit3A_319 : i32 to vector<16xi32>
      %select_n3A_321 = arith.select %and3A, %add3A_305, %broadcast_in_dim3A_320 : vector<16xi1>, vector<16xi32>
      %mul3A_322 = arith.constant 16 : i32
      %mul3A_323 = arith.muli %scan3A_284, %mul3A_322 : i32
      %swap3A_324 = arith.constant 1 : i32
      %swap3A_325 = arith.index_cast %swap3A_324 : i32 to index
      %swap3A_326 = arith.index_cast %mul3A_323 : i32 to index
      %swap3A_327 = tpu.vector_load %arg11[%swap3A_325, %swap3A_326] {strides = array<i32>} : memref<5x128xi32, #tpu.memory_space<vmem>>, vector<16xi32>,
      tpu.vector_store %arg11[%swap3A_325, %swap3A_326], %select_n3A_321 {strides = array<i32>} : memref<5x128xi32, #tpu.memory_space<vmem>>, vector<16xi32>,
      %slice3A = vector.extract_strided_slice %masked_cumsum3A {offsets = [15], sizes = [1], strides = [1]} : vector<16xi32> to vector<1xi32>
      %squeeze3A = vector.extract %slice3A[0] : i32 from vector<1xi32>
      %add3A_328 = arith.addi %scan3A_285, %squeeze3A : i32
      scf.yield %add3A_328 : i32
    }
    %scan3A_164 = arith.constant 8 : i32
    %dma_start3A_165 = arith.constant 1 : i32
    %dma_start3A_166 = arith.constant 1 : i32
    %dma_start3A_167 = arith.constant 0 : i32
    %dma_start3A_168 = tpu.memref_slice %arg11[%dma_start3A_165, %dma_start3A_167] : memref<5x128xi32, #tpu.memory_space<vmem>> -> memref<1x128xi32, #tpu.memory_space<vmem>>
    %dma_start3A_169 = tpu.memref_squeeze %dma_start3A_168 : memref<1x128xi32, #tpu.memory_space<vmem>> -> memref<128xi32, #tpu.memory_space<vmem>>
    %dma_start3A_170 = arith.constant 0 : i32
    %dma_start3A_171 = tpu.memref_slice %arg10[%dma_start3A_166, %dma_start3A_170] : memref<5x128xi32, #tpu.memory_space<vmem>> -> memref<1x128xi32, #tpu.memory_space<vmem>>
    %dma_start3A_172 = tpu.memref_squeeze %dma_start3A_171 : memref<1x128xi32, #tpu.memory_space<vmem>> -> memref<128xi32, #tpu.memory_space<vmem>>
    %dma_start3A_173 = arith.constant 0 : i32
    %dma_start3A_174 = tpu.memref_slice %arg17[%dma_start3A_173] : memref<528xi32, #tpu.memory_space<vmem_shared>> -> memref<528xi32, #tpu.memory_space<vmem_shared>>
    tpu.enqueue_indirect_dma source(%dma_start3A_169 : memref<128xi32, #tpu.memory_space<vmem>>) target(%dma_start3A_174 : memref<528xi32, #tpu.memory_space<vmem_shared>>) offsets(%dma_start3A_172 : memref<128xi32, #tpu.memory_space<vmem>>) semaphore(%arg19 : memref<!tpu.dma_semaphore, #tpu.memory_space<semaphore_mem>>)
    %scan3A_175 = arith.constant 0 : i32
    %scan3A_176 = arith.constant 8 : i32
    %scan3A_177 = arith.addi %scan3A_175, %scan3A_176 : i32
    %scan3A_178 = arith.constant 1 : i32
    %scan3A_179 = scf.for %scan3A_284 = %scan3A_175 to %scan3A_177 step %scan3A_178 iter_args(%scan3A_285 = %scan3A_163) -> (i32)  : i32 {
      %add3A = arith.constant 16 : i32
      %add3A_286 = arith.addi %add3A, %scan3A_284 : i32
      %get3A = arith.index_cast %add3A_286 : i32 to index
      %get3A_287 = arith.constant 0 : index
      %get3A_288 = tpu.vector_load %arg7[%get3A, %get3A_287] {strides = array<i32>} : memref<40x16xi32, #tpu.memory_space<vmem>>, vector<16xi32>,
      %gt3A = arith.constant 0 : i32
      %gt3A_289 = vector.broadcast %gt3A : i32 to vector<16xi32>
      %gt3A_290 = arith.cmpi sgt, %get3A_288, %gt3A_289 : vector<16xi32>
      %convert_element_type3A_291 = arith.extui %gt3A_290 : vector<16xi1> to vector<16xi32>
      %broadcast_in_dim3A_292 = arith.constant true
      %broadcast_in_dim3A_293 = vector.broadcast %broadcast_in_dim3A_292 : i1 to vector<16xi1>
      %masked_cumsum3A = tpu.scan <sum>, %convert_element_type3A_291 masked %broadcast_in_dim3A_293 : vector<16xi32>, vector<16xi1> -> vector<16xi32>
      %add3A_294 = arith.addi %reduce_sum3A_141, %scan3A_285 : i32
      %add3A_295 = vector.broadcast %add3A_294 : i32 to vector<16xi32>
      %add3A_296 = arith.addi %add3A_295, %masked_cumsum3A : vector<16xi32>
      %sub3A = arith.constant 1 : i32
      %sub3A_297 = vector.broadcast %sub3A : i32 to vector<16xi32>
      %sub3A_298 = arith.subi %add3A_296, %sub3A_297 : vector<16xi32>
      %mul3A_299 = arith.constant 640 : i32
      %mul3A_300 = arith.muli %arg1, %mul3A_299 : i32
      %mul3A_301 = arith.constant 16 : i32
      %mul3A_302 = arith.muli %add3A_286, %mul3A_301 : i32
      %add3A_303 = arith.addi %mul3A_300, %mul3A_302 : i32
      %add3A_304 = vector.broadcast %add3A_303 : i32 to vector<16xi32>
      %add3A_305 = arith.addi %add3A_304, %iota3A : vector<16xi32>
      %lt3A_306 = arith.constant 500 : i32
      %lt3A_307 = vector.broadcast %lt3A_306 : i32 to vector<16xi32>
      %lt3A_308 = arith.cmpi slt, %sub3A_298, %lt3A_307 : vector<16xi32>
      %and3A = arith.andi %gt3A_290, %lt3A_308 : vector<16xi1>
      %add3A_309 = arith.constant 512 : i32
      %add3A_310 = vector.broadcast %add3A_309 : i32 to vector<16xi32>
      %add3A_311 = arith.addi %add3A_310, %iota3A : vector<16xi32>
      %select_n3A_312 = arith.select %and3A, %sub3A_298, %add3A_311 : vector<16xi1>, vector<16xi32>
      %mul3A_313 = arith.constant 16 : i32
      %mul3A_314 = arith.muli %scan3A_284, %mul3A_313 : i32
      %swap3A_315 = arith.constant 2 : i32
      %swap3A_316 = arith.index_cast %swap3A_315 : i32 to index
      %swap3A_317 = arith.index_cast %mul3A_314 : i32 to index
      %swap3A_318 = tpu.vector_load %arg10[%swap3A_316, %swap3A_317] {strides = array<i32>} : memref<5x128xi32, #tpu.memory_space<vmem>>, vector<16xi32>,
      tpu.vector_store %arg10[%swap3A_316, %swap3A_317], %select_n3A_312 {strides = array<i32>} : memref<5x128xi32, #tpu.memory_space<vmem>>, vector<16xi32>,
      %jit3A_319 = arith.constant 0 : i32
      %broadcast_in_dim3A_320 = vector.broadcast %jit3A_319 : i32 to vector<16xi32>
      %select_n3A_321 = arith.select %and3A, %add3A_305, %broadcast_in_dim3A_320 : vector<16xi1>, vector<16xi32>
      %mul3A_322 = arith.constant 16 : i32
      %mul3A_323 = arith.muli %scan3A_284, %mul3A_322 : i32
      %swap3A_324 = arith.constant 2 : i32
      %swap3A_325 = arith.index_cast %swap3A_324 : i32 to index
      %swap3A_326 = arith.index_cast %mul3A_323 : i32 to index
      %swap3A_327 = tpu.vector_load %arg11[%swap3A_325, %swap3A_326] {strides = array<i32>} : memref<5x128xi32, #tpu.memory_space<vmem>>, vector<16xi32>,
      tpu.vector_store %arg11[%swap3A_325, %swap3A_326], %select_n3A_321 {strides = array<i32>} : memref<5x128xi32, #tpu.memory_space<vmem>>, vector<16xi32>,
      %slice3A = vector.extract_strided_slice %masked_cumsum3A {offsets = [15], sizes = [1], strides = [1]} : vector<16xi32> to vector<1xi32>
      %squeeze3A = vector.extract %slice3A[0] : i32 from vector<1xi32>
      %add3A_328 = arith.addi %scan3A_285, %squeeze3A : i32
      scf.yield %add3A_328 : i32
    }
    %scan3A_180 = arith.constant 8 : i32
    %dma_start3A_181 = arith.constant 2 : i32
    %dma_start3A_182 = arith.constant 2 : i32
    %dma_start3A_183 = arith.constant 0 : i32
    %dma_start3A_184 = tpu.memref_slice %arg11[%dma_start3A_181, %dma_start3A_183] : memref<5x128xi32, #tpu.memory_space<vmem>> -> memref<1x128xi32, #tpu.memory_space<vmem>>
    %dma_start3A_185 = tpu.memref_squeeze %dma_start3A_184 : memref<1x128xi32, #tpu.memory_space<vmem>> -> memref<128xi32, #tpu.memory_space<vmem>>
    %dma_start3A_186 = arith.constant 0 : i32
    %dma_start3A_187 = tpu.memref_slice %arg10[%dma_start3A_182, %dma_start3A_186] : memref<5x128xi32, #tpu.memory_space<vmem>> -> memref<1x128xi32, #tpu.memory_space<vmem>>
    %dma_start3A_188 = tpu.memref_squeeze %dma_start3A_187 : memref<1x128xi32, #tpu.memory_space<vmem>> -> memref<128xi32, #tpu.memory_space<vmem>>
    %dma_start3A_189 = arith.constant 0 : i32
    %dma_start3A_190 = tpu.memref_slice %arg17[%dma_start3A_189] : memref<528xi32, #tpu.memory_space<vmem_shared>> -> memref<528xi32, #tpu.memory_space<vmem_shared>>
    tpu.enqueue_indirect_dma source(%dma_start3A_185 : memref<128xi32, #tpu.memory_space<vmem>>) target(%dma_start3A_190 : memref<528xi32, #tpu.memory_space<vmem_shared>>) offsets(%dma_start3A_188 : memref<128xi32, #tpu.memory_space<vmem>>) semaphore(%arg19 : memref<!tpu.dma_semaphore, #tpu.memory_space<semaphore_mem>>)
    %scan3A_191 = arith.constant 0 : i32
    %scan3A_192 = arith.constant 8 : i32
    %scan3A_193 = arith.addi %scan3A_191, %scan3A_192 : i32
    %scan3A_194 = arith.constant 1 : i32
    %scan3A_195 = scf.for %scan3A_284 = %scan3A_191 to %scan3A_193 step %scan3A_194 iter_args(%scan3A_285 = %scan3A_179) -> (i32)  : i32 {
      %add3A = arith.constant 24 : i32
      %add3A_286 = arith.addi %add3A, %scan3A_284 : i32
      %get3A = arith.index_cast %add3A_286 : i32 to index
      %get3A_287 = arith.constant 0 : index
      %get3A_288 = tpu.vector_load %arg7[%get3A, %get3A_287] {strides = array<i32>} : memref<40x16xi32, #tpu.memory_space<vmem>>, vector<16xi32>,
      %gt3A = arith.constant 0 : i32
      %gt3A_289 = vector.broadcast %gt3A : i32 to vector<16xi32>
      %gt3A_290 = arith.cmpi sgt, %get3A_288, %gt3A_289 : vector<16xi32>
      %convert_element_type3A_291 = arith.extui %gt3A_290 : vector<16xi1> to vector<16xi32>
      %broadcast_in_dim3A_292 = arith.constant true
      %broadcast_in_dim3A_293 = vector.broadcast %broadcast_in_dim3A_292 : i1 to vector<16xi1>
      %masked_cumsum3A = tpu.scan <sum>, %convert_element_type3A_291 masked %broadcast_in_dim3A_293 : vector<16xi32>, vector<16xi1> -> vector<16xi32>
      %add3A_294 = arith.addi %reduce_sum3A_141, %scan3A_285 : i32
      %add3A_295 = vector.broadcast %add3A_294 : i32 to vector<16xi32>
      %add3A_296 = arith.addi %add3A_295, %masked_cumsum3A : vector<16xi32>
      %sub3A = arith.constant 1 : i32
      %sub3A_297 = vector.broadcast %sub3A : i32 to vector<16xi32>
      %sub3A_298 = arith.subi %add3A_296, %sub3A_297 : vector<16xi32>
      %mul3A_299 = arith.constant 640 : i32
      %mul3A_300 = arith.muli %arg1, %mul3A_299 : i32
      %mul3A_301 = arith.constant 16 : i32
      %mul3A_302 = arith.muli %add3A_286, %mul3A_301 : i32
      %add3A_303 = arith.addi %mul3A_300, %mul3A_302 : i32
      %add3A_304 = vector.broadcast %add3A_303 : i32 to vector<16xi32>
      %add3A_305 = arith.addi %add3A_304, %iota3A : vector<16xi32>
      %lt3A_306 = arith.constant 500 : i32
      %lt3A_307 = vector.broadcast %lt3A_306 : i32 to vector<16xi32>
      %lt3A_308 = arith.cmpi slt, %sub3A_298, %lt3A_307 : vector<16xi32>
      %and3A = arith.andi %gt3A_290, %lt3A_308 : vector<16xi1>
      %add3A_309 = arith.constant 512 : i32
      %add3A_310 = vector.broadcast %add3A_309 : i32 to vector<16xi32>
      %add3A_311 = arith.addi %add3A_310, %iota3A : vector<16xi32>
      %select_n3A_312 = arith.select %and3A, %sub3A_298, %add3A_311 : vector<16xi1>, vector<16xi32>
      %mul3A_313 = arith.constant 16 : i32
      %mul3A_314 = arith.muli %scan3A_284, %mul3A_313 : i32
      %swap3A_315 = arith.constant 3 : i32
      %swap3A_316 = arith.index_cast %swap3A_315 : i32 to index
      %swap3A_317 = arith.index_cast %mul3A_314 : i32 to index
      %swap3A_318 = tpu.vector_load %arg10[%swap3A_316, %swap3A_317] {strides = array<i32>} : memref<5x128xi32, #tpu.memory_space<vmem>>, vector<16xi32>,
      tpu.vector_store %arg10[%swap3A_316, %swap3A_317], %select_n3A_312 {strides = array<i32>} : memref<5x128xi32, #tpu.memory_space<vmem>>, vector<16xi32>,
      %jit3A_319 = arith.constant 0 : i32
      %broadcast_in_dim3A_320 = vector.broadcast %jit3A_319 : i32 to vector<16xi32>
      %select_n3A_321 = arith.select %and3A, %add3A_305, %broadcast_in_dim3A_320 : vector<16xi1>, vector<16xi32>
      %mul3A_322 = arith.constant 16 : i32
      %mul3A_323 = arith.muli %scan3A_284, %mul3A_322 : i32
      %swap3A_324 = arith.constant 3 : i32
      %swap3A_325 = arith.index_cast %swap3A_324 : i32 to index
      %swap3A_326 = arith.index_cast %mul3A_323 : i32 to index
      %swap3A_327 = tpu.vector_load %arg11[%swap3A_325, %swap3A_326] {strides = array<i32>} : memref<5x128xi32, #tpu.memory_space<vmem>>, vector<16xi32>,
      tpu.vector_store %arg11[%swap3A_325, %swap3A_326], %select_n3A_321 {strides = array<i32>} : memref<5x128xi32, #tpu.memory_space<vmem>>, vector<16xi32>,
      %slice3A = vector.extract_strided_slice %masked_cumsum3A {offsets = [15], sizes = [1], strides = [1]} : vector<16xi32> to vector<1xi32>
      %squeeze3A = vector.extract %slice3A[0] : i32 from vector<1xi32>
      %add3A_328 = arith.addi %scan3A_285, %squeeze3A : i32
      scf.yield %add3A_328 : i32
    }
    %scan3A_196 = arith.constant 8 : i32
    %dma_start3A_197 = arith.constant 3 : i32
    %dma_start3A_198 = arith.constant 3 : i32
    %dma_start3A_199 = arith.constant 0 : i32
    %dma_start3A_200 = tpu.memref_slice %arg11[%dma_start3A_197, %dma_start3A_199] : memref<5x128xi32, #tpu.memory_space<vmem>> -> memref<1x128xi32, #tpu.memory_space<vmem>>
    %dma_start3A_201 = tpu.memref_squeeze %dma_start3A_200 : memref<1x128xi32, #tpu.memory_space<vmem>> -> memref<128xi32, #tpu.memory_space<vmem>>
    %dma_start3A_202 = arith.constant 0 : i32
    %dma_start3A_203 = tpu.memref_slice %arg10[%dma_start3A_198, %dma_start3A_202] : memref<5x128xi32, #tpu.memory_space<vmem>> -> memref<1x128xi32, #tpu.memory_space<vmem>>
    %dma_start3A_204 = tpu.memref_squeeze %dma_start3A_203 : memref<1x128xi32, #tpu.memory_space<vmem>> -> memref<128xi32, #tpu.memory_space<vmem>>
    %dma_start3A_205 = arith.constant 0 : i32
    %dma_start3A_206 = tpu.memref_slice %arg17[%dma_start3A_205] : memref<528xi32, #tpu.memory_space<vmem_shared>> -> memref<528xi32, #tpu.memory_space<vmem_shared>>
    tpu.enqueue_indirect_dma source(%dma_start3A_201 : memref<128xi32, #tpu.memory_space<vmem>>) target(%dma_start3A_206 : memref<528xi32, #tpu.memory_space<vmem_shared>>) offsets(%dma_start3A_204 : memref<128xi32, #tpu.memory_space<vmem>>) semaphore(%arg19 : memref<!tpu.dma_semaphore, #tpu.memory_space<semaphore_mem>>)
    %scan3A_207 = arith.constant 0 : i32
    %scan3A_208 = arith.constant 8 : i32
    %scan3A_209 = arith.addi %scan3A_207, %scan3A_208 : i32
    %scan3A_210 = arith.constant 1 : i32
    %scan3A_211 = scf.for %scan3A_284 = %scan3A_207 to %scan3A_209 step %scan3A_210 iter_args(%scan3A_285 = %scan3A_195) -> (i32)  : i32 {
      %add3A = arith.constant 32 : i32
      %add3A_286 = arith.addi %add3A, %scan3A_284 : i32
      %get3A = arith.index_cast %add3A_286 : i32 to index
      %get3A_287 = arith.constant 0 : index
      %get3A_288 = tpu.vector_load %arg7[%get3A, %get3A_287] {strides = array<i32>} : memref<40x16xi32, #tpu.memory_space<vmem>>, vector<16xi32>,
      %gt3A = arith.constant 0 : i32
      %gt3A_289 = vector.broadcast %gt3A : i32 to vector<16xi32>
      %gt3A_290 = arith.cmpi sgt, %get3A_288, %gt3A_289 : vector<16xi32>
      %convert_element_type3A_291 = arith.extui %gt3A_290 : vector<16xi1> to vector<16xi32>
      %broadcast_in_dim3A_292 = arith.constant true
      %broadcast_in_dim3A_293 = vector.broadcast %broadcast_in_dim3A_292 : i1 to vector<16xi1>
      %masked_cumsum3A = tpu.scan <sum>, %convert_element_type3A_291 masked %broadcast_in_dim3A_293 : vector<16xi32>, vector<16xi1> -> vector<16xi32>
      %add3A_294 = arith.addi %reduce_sum3A_141, %scan3A_285 : i32
      %add3A_295 = vector.broadcast %add3A_294 : i32 to vector<16xi32>
      %add3A_296 = arith.addi %add3A_295, %masked_cumsum3A : vector<16xi32>
      %sub3A = arith.constant 1 : i32
      %sub3A_297 = vector.broadcast %sub3A : i32 to vector<16xi32>
      %sub3A_298 = arith.subi %add3A_296, %sub3A_297 : vector<16xi32>
      %mul3A_299 = arith.constant 640 : i32
      %mul3A_300 = arith.muli %arg1, %mul3A_299 : i32
      %mul3A_301 = arith.constant 16 : i32
      %mul3A_302 = arith.muli %add3A_286, %mul3A_301 : i32
      %add3A_303 = arith.addi %mul3A_300, %mul3A_302 : i32
      %add3A_304 = vector.broadcast %add3A_303 : i32 to vector<16xi32>
      %add3A_305 = arith.addi %add3A_304, %iota3A : vector<16xi32>
      %lt3A_306 = arith.constant 500 : i32
      %lt3A_307 = vector.broadcast %lt3A_306 : i32 to vector<16xi32>
      %lt3A_308 = arith.cmpi slt, %sub3A_298, %lt3A_307 : vector<16xi32>
      %and3A = arith.andi %gt3A_290, %lt3A_308 : vector<16xi1>
      %add3A_309 = arith.constant 512 : i32
      %add3A_310 = vector.broadcast %add3A_309 : i32 to vector<16xi32>
      %add3A_311 = arith.addi %add3A_310, %iota3A : vector<16xi32>
      %select_n3A_312 = arith.select %and3A, %sub3A_298, %add3A_311 : vector<16xi1>, vector<16xi32>
      %mul3A_313 = arith.constant 16 : i32
      %mul3A_314 = arith.muli %scan3A_284, %mul3A_313 : i32
      %swap3A_315 = arith.constant 4 : i32
      %swap3A_316 = arith.index_cast %swap3A_315 : i32 to index
      %swap3A_317 = arith.index_cast %mul3A_314 : i32 to index
      %swap3A_318 = tpu.vector_load %arg10[%swap3A_316, %swap3A_317] {strides = array<i32>} : memref<5x128xi32, #tpu.memory_space<vmem>>, vector<16xi32>,
      tpu.vector_store %arg10[%swap3A_316, %swap3A_317], %select_n3A_312 {strides = array<i32>} : memref<5x128xi32, #tpu.memory_space<vmem>>, vector<16xi32>,
      %jit3A_319 = arith.constant 0 : i32
      %broadcast_in_dim3A_320 = vector.broadcast %jit3A_319 : i32 to vector<16xi32>
      %select_n3A_321 = arith.select %and3A, %add3A_305, %broadcast_in_dim3A_320 : vector<16xi1>, vector<16xi32>
      %mul3A_322 = arith.constant 16 : i32
      %mul3A_323 = arith.muli %scan3A_284, %mul3A_322 : i32
      %swap3A_324 = arith.constant 4 : i32
      %swap3A_325 = arith.index_cast %swap3A_324 : i32 to index
      %swap3A_326 = arith.index_cast %mul3A_323 : i32 to index
      %swap3A_327 = tpu.vector_load %arg11[%swap3A_325, %swap3A_326] {strides = array<i32>} : memref<5x128xi32, #tpu.memory_space<vmem>>, vector<16xi32>,
      tpu.vector_store %arg11[%swap3A_325, %swap3A_326], %select_n3A_321 {strides = array<i32>} : memref<5x128xi32, #tpu.memory_space<vmem>>, vector<16xi32>,
      %slice3A = vector.extract_strided_slice %masked_cumsum3A {offsets = [15], sizes = [1], strides = [1]} : vector<16xi32> to vector<1xi32>
      %squeeze3A = vector.extract %slice3A[0] : i32 from vector<1xi32>
      %add3A_328 = arith.addi %scan3A_285, %squeeze3A : i32
      scf.yield %add3A_328 : i32
    }
    %scan3A_212 = arith.constant 8 : i32
    %dma_start3A_213 = arith.constant 4 : i32
    %dma_start3A_214 = arith.constant 4 : i32
    %dma_start3A_215 = arith.constant 0 : i32
    %dma_start3A_216 = tpu.memref_slice %arg11[%dma_start3A_213, %dma_start3A_215] : memref<5x128xi32, #tpu.memory_space<vmem>> -> memref<1x128xi32, #tpu.memory_space<vmem>>
    %dma_start3A_217 = tpu.memref_squeeze %dma_start3A_216 : memref<1x128xi32, #tpu.memory_space<vmem>> -> memref<128xi32, #tpu.memory_space<vmem>>
    %dma_start3A_218 = arith.constant 0 : i32
    %dma_start3A_219 = tpu.memref_slice %arg10[%dma_start3A_214, %dma_start3A_218] : memref<5x128xi32, #tpu.memory_space<vmem>> -> memref<1x128xi32, #tpu.memory_space<vmem>>
    %dma_start3A_220 = tpu.memref_squeeze %dma_start3A_219 : memref<1x128xi32, #tpu.memory_space<vmem>> -> memref<128xi32, #tpu.memory_space<vmem>>
    %dma_start3A_221 = arith.constant 0 : i32
    %dma_start3A_222 = tpu.memref_slice %arg17[%dma_start3A_221] : memref<528xi32, #tpu.memory_space<vmem_shared>> -> memref<528xi32, #tpu.memory_space<vmem_shared>>
    tpu.enqueue_indirect_dma source(%dma_start3A_217 : memref<128xi32, #tpu.memory_space<vmem>>) target(%dma_start3A_222 : memref<528xi32, #tpu.memory_space<vmem_shared>>) offsets(%dma_start3A_220 : memref<128xi32, #tpu.memory_space<vmem>>) semaphore(%arg19 : memref<!tpu.dma_semaphore, #tpu.memory_space<semaphore_mem>>)
    %dma_wait3A_223 = arith.constant 0 : i32
    %dma_wait3A_224 = arith.constant 0 : i32
    %dma_wait3A_225 = arith.constant 0 : i32
    %dma_wait3A_226 = tpu.memref_slice %arg11[%dma_wait3A_223, %dma_wait3A_225] : memref<5x128xi32, #tpu.memory_space<vmem>> -> memref<1x128xi32, #tpu.memory_space<vmem>>
    %dma_wait3A_227 = tpu.memref_squeeze %dma_wait3A_226 : memref<1x128xi32, #tpu.memory_space<vmem>> -> memref<128xi32, #tpu.memory_space<vmem>>
    %dma_wait3A_228 = arith.constant 0 : i32
    %dma_wait3A_229 = tpu.memref_slice %arg10[%dma_wait3A_224, %dma_wait3A_228] : memref<5x128xi32, #tpu.memory_space<vmem>> -> memref<1x128xi32, #tpu.memory_space<vmem>>
    %dma_wait3A_230 = tpu.memref_squeeze %dma_wait3A_229 : memref<1x128xi32, #tpu.memory_space<vmem>> -> memref<128xi32, #tpu.memory_space<vmem>>
    %dma_wait3A_231 = arith.constant 0 : i32
    %dma_wait3A_232 = tpu.memref_slice %arg17[%dma_wait3A_231] : memref<528xi32, #tpu.memory_space<vmem_shared>> -> memref<528xi32, #tpu.memory_space<vmem_shared>>
    tpu.wait_indirect_dma semaphore(%arg19 : memref<!tpu.dma_semaphore, #tpu.memory_space<semaphore_mem>>) src(%dma_wait3A_227 : memref<128xi32, #tpu.memory_space<vmem>>) dst(%dma_wait3A_232 : memref<528xi32, #tpu.memory_space<vmem_shared>>)
    %dma_wait3A_233 = arith.constant 1 : i32
    %dma_wait3A_234 = arith.constant 1 : i32
    %dma_wait3A_235 = arith.constant 0 : i32
    %dma_wait3A_236 = tpu.memref_slice %arg11[%dma_wait3A_233, %dma_wait3A_235] : memref<5x128xi32, #tpu.memory_space<vmem>> -> memref<1x128xi32, #tpu.memory_space<vmem>>
    %dma_wait3A_237 = tpu.memref_squeeze %dma_wait3A_236 : memref<1x128xi32, #tpu.memory_space<vmem>> -> memref<128xi32, #tpu.memory_space<vmem>>
    %dma_wait3A_238 = arith.constant 0 : i32
    %dma_wait3A_239 = tpu.memref_slice %arg10[%dma_wait3A_234, %dma_wait3A_238] : memref<5x128xi32, #tpu.memory_space<vmem>> -> memref<1x128xi32, #tpu.memory_space<vmem>>
    %dma_wait3A_240 = tpu.memref_squeeze %dma_wait3A_239 : memref<1x128xi32, #tpu.memory_space<vmem>> -> memref<128xi32, #tpu.memory_space<vmem>>
    %dma_wait3A_241 = arith.constant 0 : i32
    %dma_wait3A_242 = tpu.memref_slice %arg17[%dma_wait3A_241] : memref<528xi32, #tpu.memory_space<vmem_shared>> -> memref<528xi32, #tpu.memory_space<vmem_shared>>
    tpu.wait_indirect_dma semaphore(%arg19 : memref<!tpu.dma_semaphore, #tpu.memory_space<semaphore_mem>>) src(%dma_wait3A_237 : memref<128xi32, #tpu.memory_space<vmem>>) dst(%dma_wait3A_242 : memref<528xi32, #tpu.memory_space<vmem_shared>>)
    %dma_wait3A_243 = arith.constant 2 : i32
    %dma_wait3A_244 = arith.constant 2 : i32
    %dma_wait3A_245 = arith.constant 0 : i32
    %dma_wait3A_246 = tpu.memref_slice %arg11[%dma_wait3A_243, %dma_wait3A_245] : memref<5x128xi32, #tpu.memory_space<vmem>> -> memref<1x128xi32, #tpu.memory_space<vmem>>
    %dma_wait3A_247 = tpu.memref_squeeze %dma_wait3A_246 : memref<1x128xi32, #tpu.memory_space<vmem>> -> memref<128xi32, #tpu.memory_space<vmem>>
    %dma_wait3A_248 = arith.constant 0 : i32
    %dma_wait3A_249 = tpu.memref_slice %arg10[%dma_wait3A_244, %dma_wait3A_248] : memref<5x128xi32, #tpu.memory_space<vmem>> -> memref<1x128xi32, #tpu.memory_space<vmem>>
    %dma_wait3A_250 = tpu.memref_squeeze %dma_wait3A_249 : memref<1x128xi32, #tpu.memory_space<vmem>> -> memref<128xi32, #tpu.memory_space<vmem>>
    %dma_wait3A_251 = arith.constant 0 : i32
    %dma_wait3A_252 = tpu.memref_slice %arg17[%dma_wait3A_251] : memref<528xi32, #tpu.memory_space<vmem_shared>> -> memref<528xi32, #tpu.memory_space<vmem_shared>>
    tpu.wait_indirect_dma semaphore(%arg19 : memref<!tpu.dma_semaphore, #tpu.memory_space<semaphore_mem>>) src(%dma_wait3A_247 : memref<128xi32, #tpu.memory_space<vmem>>) dst(%dma_wait3A_252 : memref<528xi32, #tpu.memory_space<vmem_shared>>)
    %dma_wait3A_253 = arith.constant 3 : i32
    %dma_wait3A_254 = arith.constant 3 : i32
    %dma_wait3A_255 = arith.constant 0 : i32
    %dma_wait3A_256 = tpu.memref_slice %arg11[%dma_wait3A_253, %dma_wait3A_255] : memref<5x128xi32, #tpu.memory_space<vmem>> -> memref<1x128xi32, #tpu.memory_space<vmem>>
    %dma_wait3A_257 = tpu.memref_squeeze %dma_wait3A_256 : memref<1x128xi32, #tpu.memory_space<vmem>> -> memref<128xi32, #tpu.memory_space<vmem>>
    %dma_wait3A_258 = arith.constant 0 : i32
    %dma_wait3A_259 = tpu.memref_slice %arg10[%dma_wait3A_254, %dma_wait3A_258] : memref<5x128xi32, #tpu.memory_space<vmem>> -> memref<1x128xi32, #tpu.memory_space<vmem>>
    %dma_wait3A_260 = tpu.memref_squeeze %dma_wait3A_259 : memref<1x128xi32, #tpu.memory_space<vmem>> -> memref<128xi32, #tpu.memory_space<vmem>>
    %dma_wait3A_261 = arith.constant 0 : i32
    %dma_wait3A_262 = tpu.memref_slice %arg17[%dma_wait3A_261] : memref<528xi32, #tpu.memory_space<vmem_shared>> -> memref<528xi32, #tpu.memory_space<vmem_shared>>
    tpu.wait_indirect_dma semaphore(%arg19 : memref<!tpu.dma_semaphore, #tpu.memory_space<semaphore_mem>>) src(%dma_wait3A_257 : memref<128xi32, #tpu.memory_space<vmem>>) dst(%dma_wait3A_262 : memref<528xi32, #tpu.memory_space<vmem_shared>>)
    %dma_wait3A_263 = arith.constant 4 : i32
    %dma_wait3A_264 = arith.constant 4 : i32
    %dma_wait3A_265 = arith.constant 0 : i32
    %dma_wait3A_266 = tpu.memref_slice %arg11[%dma_wait3A_263, %dma_wait3A_265] : memref<5x128xi32, #tpu.memory_space<vmem>> -> memref<1x128xi32, #tpu.memory_space<vmem>>
    %dma_wait3A_267 = tpu.memref_squeeze %dma_wait3A_266 : memref<1x128xi32, #tpu.memory_space<vmem>> -> memref<128xi32, #tpu.memory_space<vmem>>
    %dma_wait3A_268 = arith.constant 0 : i32
    %dma_wait3A_269 = tpu.memref_slice %arg10[%dma_wait3A_264, %dma_wait3A_268] : memref<5x128xi32, #tpu.memory_space<vmem>> -> memref<1x128xi32, #tpu.memory_space<vmem>>
    %dma_wait3A_270 = tpu.memref_squeeze %dma_wait3A_269 : memref<1x128xi32, #tpu.memory_space<vmem>> -> memref<128xi32, #tpu.memory_space<vmem>>
    %dma_wait3A_271 = arith.constant 0 : i32
    %dma_wait3A_272 = tpu.memref_slice %arg17[%dma_wait3A_271] : memref<528xi32, #tpu.memory_space<vmem_shared>> -> memref<528xi32, #tpu.memory_space<vmem_shared>>
    tpu.wait_indirect_dma semaphore(%arg19 : memref<!tpu.dma_semaphore, #tpu.memory_space<semaphore_mem>>) src(%dma_wait3A_267 : memref<128xi32, #tpu.memory_space<vmem>>) dst(%dma_wait3A_272 : memref<528xi32, #tpu.memory_space<vmem_shared>>)
    "tpu.trace_stop"() : () -> ()
    %barrier3A_273 = arith.constant 0 : index
    tpu.barrier barrier_id(%barrier3A_273)
    "tpu.trace_start"() <{level = 10 : i32, message = "xgather"}> : () -> ()
    %mul3A_274 = arith.constant 32 : i32
    %mul3A_275 = arith.muli %arg1, %mul3A_274 : i32
    "tpu.region"() ({
      %run_scoped3A = tpu.sem_alloc : memref<!tpu.dma_semaphore, #tpu.memory_space<semaphore_mem>>
      %dma_start3A_284 = tpu.memref_slice %arg17[%mul3A_275] : memref<528xi32, #tpu.memory_space<vmem_shared>> -> memref<32xi32, #tpu.memory_space<vmem_shared>>
      %dma_start3A_285 = tpu.memref_slice %arg17[%mul3A_275] : memref<528xi32, #tpu.memory_space<vmem_shared>> -> memref<32xi32, #tpu.memory_space<vmem_shared>>
      tpu.enqueue_dma source(%dma_start3A_285 : memref<32xi32, #tpu.memory_space<vmem_shared>>) target(%arg14 : memref<32xi32, #tpu.memory_space<vmem>>) target_semaphore(%run_scoped3A : memref<!tpu.dma_semaphore, #tpu.memory_space<semaphore_mem>>)
      %dma_wait3A_286 = tpu.memref_slice %arg17[%mul3A_275] : memref<528xi32, #tpu.memory_space<vmem_shared>> -> memref<32xi32, #tpu.memory_space<vmem_shared>>
      %dma_wait3A_287 = tpu.memref_slice %arg17[%mul3A_275] : memref<528xi32, #tpu.memory_space<vmem_shared>> -> memref<32xi32, #tpu.memory_space<vmem_shared>>
      tpu.wait_dma2 semaphore(%run_scoped3A : memref<!tpu.dma_semaphore, #tpu.memory_space<semaphore_mem>>) src(%dma_wait3A_287 : memref<32xi32, #tpu.memory_space<vmem_shared>>) dst(%arg14 : memref<32xi32, #tpu.memory_space<vmem>>)
      tpu.yield
    }) : () -> ()
    %dma_start3A_276 = arith.constant 0 : i32
    %dma_start3A_277 = arith.constant 0 : i32
    %dma_start3A_278 = tpu.memref_slice %arg2[%dma_start3A_276, %dma_start3A_277] : memref<10000x256xf32, #tpu.memory_space<hbm>> -> memref<10000x256xf32, #tpu.memory_space<hbm>>
    tpu.enqueue_indirect_dma source(%dma_start3A_278 : memref<10000x256xf32, #tpu.memory_space<hbm>>) target(%arg15 : memref<32x256xf32, #tpu.memory_space<vmem>>) offsets(%arg14 : memref<32xi32, #tpu.memory_space<vmem>>) semaphore(%arg19 : memref<!tpu.dma_semaphore, #tpu.memory_space<semaphore_mem>>)
    %dma_wait3A_279 = arith.constant 0 : i32
    %dma_wait3A_280 = arith.constant 0 : i32
    %dma_wait3A_281 = tpu.memref_slice %arg2[%dma_wait3A_279, %dma_wait3A_280] : memref<10000x256xf32, #tpu.memory_space<hbm>> -> memref<10000x256xf32, #tpu.memory_space<hbm>>
    tpu.wait_indirect_dma semaphore(%arg19 : memref<!tpu.dma_semaphore, #tpu.memory_space<semaphore_mem>>) src(%dma_wait3A_281 : memref<10000x256xf32, #tpu.memory_space<hbm>>) dst(%arg15 : memref<32x256xf32, #tpu.memory_space<vmem>>)
    %mul3A_282 = arith.constant 32 : i32
    %mul3A_283 = arith.muli %arg1, %mul3A_282 : i32
    "tpu.region"() ({
      %run_scoped3A = tpu.sem_alloc : memref<!tpu.dma_semaphore, #tpu.memory_space<semaphore_mem>>
      %dma_start3A_284 = arith.constant 0 : i32
      %dma_start3A_285 = tpu.memref_slice %arg4[%mul3A_283, %dma_start3A_284] : memref<512x256xf32, #tpu.memory_space<hbm>> -> memref<32x256xf32, #tpu.memory_space<hbm>>
      %dma_start3A_286 = arith.constant 0 : i32
      %dma_start3A_287 = tpu.memref_slice %arg4[%mul3A_283, %dma_start3A_286] : memref<512x256xf32, #tpu.memory_space<hbm>> -> memref<32x256xf32, #tpu.memory_space<hbm>>
      tpu.enqueue_dma source(%arg15 : memref<32x256xf32, #tpu.memory_space<vmem>>) target(%dma_start3A_287 : memref<32x256xf32, #tpu.memory_space<hbm>>) target_semaphore(%run_scoped3A : memref<!tpu.dma_semaphore, #tpu.memory_space<semaphore_mem>>)
      %dma_wait3A_288 = arith.constant 0 : i32
      %dma_wait3A_289 = tpu.memref_slice %arg4[%mul3A_283, %dma_wait3A_288] : memref<512x256xf32, #tpu.memory_space<hbm>> -> memref<32x256xf32, #tpu.memory_space<hbm>>
      %dma_wait3A_290 = arith.constant 0 : i32
      %dma_wait3A_291 = tpu.memref_slice %arg4[%mul3A_283, %dma_wait3A_290] : memref<512x256xf32, #tpu.memory_space<hbm>> -> memref<32x256xf32, #tpu.memory_space<hbm>>
      tpu.wait_dma2 semaphore(%run_scoped3A : memref<!tpu.dma_semaphore, #tpu.memory_space<semaphore_mem>>) src(%arg15 : memref<32x256xf32, #tpu.memory_space<vmem>>) dst(%dma_wait3A_291 : memref<32x256xf32, #tpu.memory_space<hbm>>)
      tpu.yield
    }) : () -> ()
    "tpu.trace_stop"() : () -> ()
    return
  }
}

module attributes {stable_mosaic.version = 14 : i64} {
  func.func @_mm_body(%arg0: memref<512x256xf32, #tpu.memory_space<vmem>>, %arg1: memref<256x256xf32, #tpu.memory_space<vmem>>, %arg2: memref<1x256xf32, #tpu.memory_space<vmem>>, %arg3: memref<1000x128xf32, #tpu.memory_space<vmem>>) attributes {dimension_semantics = [], scalar_prefetch = 0 : i64, scratch_operands = 0 : i64, tpu.core_type = #tpu.core_type<tc>} {
    %get3A = arith.constant 0 : index
    %get3A_0 = arith.constant 0 : index
    %get3A_1 = vector.load %arg0[%get3A, %get3A_0] : memref<512x256xf32, #tpu.memory_space<vmem>>, vector<512x256xf32>
    %get3A_2 = arith.constant 0 : index
    %get3A_3 = arith.constant 0 : index
    %get3A_4 = vector.load %arg1[%get3A_2, %get3A_3] : memref<256x256xf32, #tpu.memory_space<vmem>>, vector<256x256xf32>
    %dot_general3A = arith.constant dense<0.000000e+00> : vector<512x256xf32>
    %dot_general3A_5 = tpu.matmul %get3A_1, %get3A_4, %dot_general3A {dimension_numbers = #tpu.dot_dimension_numbers<[1], [1], [0], [0], [0, 0, 1, 0], [], []>, transpose_lhs_hint = false} : vector<512x256xf32>, vector<256x256xf32>, vector<512x256xf32> -> vector<512x256xf32>
    %slice3A = vector.extract_strided_slice %dot_general3A_5 {offsets = [0, 0], sizes = [500, 256], strides = [1, 1]} : vector<512x256xf32> to vector<500x256xf32>
    %get3A_6 = arith.constant 0 : index
    %get3A_7 = arith.constant 0 : index
    %get3A_8 = vector.load %arg2[%get3A_6, %get3A_7] : memref<1x256xf32, #tpu.memory_space<vmem>>, vector<1x256xf32>
    %add3A = vector.broadcast %get3A_8 : vector<1x256xf32> to vector<500x256xf32>
    %add3A_9 = arith.addf %slice3A, %add3A : vector<500x256xf32>
    %reshape3A = vector.shape_cast %add3A_9 : vector<500x256xf32> to vector<1000x128xf32>
    %swap3A = arith.constant 0 : index
    %swap3A_10 = arith.constant 0 : index
    %swap3A_11 = vector.load %arg3[%swap3A, %swap3A_10] : memref<1000x128xf32, #tpu.memory_space<vmem>>, vector<1000x128xf32>
    tpu.vector_store %arg3[%swap3A, %swap3A_10], %reshape3A {strides = array<i32>} : memref<1000x128xf32, #tpu.memory_space<vmem>>, vector<1000x128xf32>,
    return
  }
}

</mosaic_0001>

<sc_bundles>
// kernel: kernel.4.cloned.1.call-start
scs
__scs_entry_jumppad:
0x0: {  	(pc) =	sbr.rel $0x88, $3  }
0x1: {  	(tag) =	ssettag $0x0;
	lr =	simm.s32 $0x1  }
0x2: {  	[smem:$0x3F9D] =	sst lr;
	_ =	strace $0xD0000000  }
0x3: {  	_ = 	snop  }
0x4: {  	_ = 	snop  }
0x5: {  	_ = 	snop  }
0x6: {  	_ = 	snop  }
0x7: {  	_ = 	snop  }
__scs_overlays_trampoline_lowered:
0x8: {  	[smem:$0x3FAC] =	sst s0  }
0x9: {  	[smem:$0x3FAD] =	sst s1  }
0xa: {  	[smem:$0x3FAE] =	sst s2  }
0xb: {  	[smem:$0x3FAF] =	sst s3  }
0xc: {  	[smem:$0x3FB0] =	sst s4  }
0xd: {  	[smem:$0x3FB1] =	sst s5  }
0xe: {  	[smem:$0x3FB2] =	sst s6  }
0xf: {  	[smem:$0x3FB3] =	sst s7  }
0x10: {  	[smem:$0x3FB4] =	sst s8  }
0x11: {  	[smem:$0x3FB5] =	sst s9;
	s0 =	simm.s32 @!p0 $0x0  }
0x12: {  	s1 =	sld [smem:$0x3F9B];
	s0 =	simm.s32 @p0 $0x1  }
0x13: {  	[smem:$0x3FB6] =	sst s0;
	s0 =	simm.s32 @!p1 $0x0  }
0x14: {  	s2 =	sld [smem:$0x3F9A];
	s0 =	simm.s32 @p1 $0x1  }
0x15: {  	[smem:$0x3FB7] =	sst s0;
	s0 =	simm.s32 @!p2 $0x0  }
0x16: {  	s3 =	sld [smem:$0x3FDB];
	s0 =	simm.s32 @p2 $0x1  }
0x17: {  	s4 =	simm.s32 $0x1BF5;
	[smem:$0x3FB9] =	sst s0  }
0x18: {  	s0 =	sld [smem:$0x3F9C];
	_ =	swait.ge [sflag:s4], $0x0  }
0x19: {  	s7 =	sld [smem:$0x3F9D]  }
0x1a: {  	s8 =	sadd.s32 $0xFFFFE003, lr  }
0x1b: {  	s9 =	sadd.s32 $0xFFFFFEF7, lr;
	s5 =	simm.s32 $0xFFFFFFFF;
	p2 =	slt.u32 s8, $0xFFFFF086  }
0x1c: {  	p1 =	slt.u32 s9, $0xF7A;
	s5 =	simm.s32 @!p2 $0x0  }
0x1d: {  	s5 =	simm.s32 @p1 $0x1;
	p0 =	seq.s32 s7, s2  }
0x1e: {  	s7 =	smul.u32 @!p0 $0xF7A, s2;
	p2 =	seq.s32 @!p0 s5, $0x0  }
0x1f: {  	s9 =	smul.u32 $0xF7A, s1;
	s8 =	simm.s32 @!p0 $0x1BF5;
	p2 =	por !p2, p0  }
0x20: {  	[sflag:s8] =	ssyncset.s32 @!p0 $0xFFFFF086;
	s6 =	sadd.s32 @!p0 s3, s7;
	s7 =	simm.s32 @!p0 $0x108  }
0x21: {  	s3 =	sadd.s32 s3, s9;
	s6 =	sadd.s32 @!p0 $0x88, s6;
	s7 =	simm.s32 @p2 $0x1082  }
0x22: {  	[simem:s7], [sflag:s8] =	dma.local @!p0 [hbm:s6], $0xF7A  }
0x23: {  	s9 =	sor.u32 $0xD0000000, s2;
	s6 =	simm.s32 $0x108;
	_ =	swait.ge @!p0 [sflag:s8], $0x0  }
0x24: {  	s3 =	sadd.s32 $0x88, s3;
	s6 =	simm.s32 @!p1 $0x1082;
	[sflag:s4] =	ssyncset.s32 $0xFFFFF086  }
0x25: {  	[simem:s6], [sflag:s4] =	dma.local [hbm:s3], $0xF7A  }
0x26: {  	[smem:$0x3F9D] =	sst s1;
	(tag) =	ssettag s2;
	_ =	strace s9  }
0x27: {  	s1 =	sld [smem:$0x3FAD]  }
0x28: {  	s2 =	sld [smem:$0x3FAE]  }
0x29: {  	s4 =	sld [smem:$0x3FB0]  }
0x2a: {  	p0 =	seq.s32 s5, $0x0;
	s5 =	sld [smem:$0x3FB1]  }
0x2b: {  	s6 =	sld [smem:$0x3FB2]  }
0x2c: {  	s7 =	sld [smem:$0x3FB3]  }
0x2d: {  	s3 =	simm.s32 $0x108;
	s8 =	sld [smem:$0x3FB4]  }
0x2e: {  	s3 =	simm.s32 @!p0 $0x1082;
	s9 =	sld [smem:$0x3FB5]  }
0x2f: {  	lr =	sadd.s32 s0, s3;
	s0 =	sld [smem:$0x3FAC]  }
0x30: {  	s3 =	sld [smem:$0x3FAF]  }
0x31: {  	[smem:$0x3FB8] =	sst s10  }
0x32: {  	s10 =	sld [smem:$0x3FB6];
	_ =	sdelay $0x3  }
0x33: {  	p0 =	seq.s32 s10, $0x1;
	s10 =	sld [smem:$0x3FB8];
	_ =	sdelay $0x3  }
0x34: {  	[smem:$0x3FB8] =	sst s10  }
0x35: {  	s10 =	sld [smem:$0x3FB7];
	_ =	sdelay $0x3  }
0x36: {  	p1 =	seq.s32 s10, $0x1;
	s10 =	sld [smem:$0x3FB8];
	_ =	sdelay $0x3  }
0x37: {  	[smem:$0x3FB8] =	sst s10  }
0x38: {  	s10 =	sld [smem:$0x3FB9]  }
0x39: {  	_ = 	snop;
	(pc) =	sbr.ind lr, $3  }
0x3a: {  	_ = 	snop  }
0x3b: {  	_ = 	snop  }
0x3c: {  	p2 =	seq.s32 s10, $0x1;
	s10 =	sld [smem:$0x3FB8]  }
0x3d: {  	_ =	shalt  }
0x3e: {  	_ =	shalt  }
0x3f: {  	_ =	shalt  }
0x40: {  	_ =	shalt  }
0x41: {  	_ =	shalt  }
0x42: {  	_ =	shalt  }
0x43: {  	_ =	shalt  }
0x44: {  	_ =	shalt  }
0x45: {  	_ =	shalt  }
0x46: {  	_ =	shalt  }
0x47: {  	_ =	shalt  }
0x48: {  	_ =	shalt  }
0x49: {  	_ =	shalt  }
0x4a: {  	_ =	shalt  }
0x4b: {  	_ =	shalt  }
0x4c: {  	_ =	shalt  }
0x4d: {  	_ =	shalt  }
0x4e: {  	_ =	shalt  }
0x4f: {  	_ =	shalt  }
0x50: {  	_ =	shalt  }
0x51: {  	_ =	shalt  }
0x52: {  	_ =	shalt  }
0x53: {  	_ =	shalt  }
0x54: {  	_ =	shalt  }
0x55: {  	_ =	shalt  }
0x56: {  	_ =	shalt  }
0x57: {  	_ =	shalt  }
0x58: {  	_ =	shalt  }
0x59: {  	_ =	shalt  }
0x5a: {  	_ =	shalt  }
0x5b: {  	_ =	shalt  }
0x5c: {  	_ =	shalt  }
0x5d: {  	_ =	shalt  }
0x5e: {  	_ =	shalt  }
0x5f: {  	_ =	shalt  }
0x60: {  	_ =	shalt  }
0x61: {  	_ =	shalt  }
0x62: {  	_ =	shalt  }
0x63: {  	_ =	shalt  }
0x64: {  	_ =	shalt  }
0x65: {  	_ =	shalt  }
0x66: {  	_ =	shalt  }
0x67: {  	_ =	shalt  }
0x68: {  	_ =	shalt  }
0x69: {  	_ =	shalt  }
0x6a: {  	_ =	shalt  }
0x6b: {  	_ =	shalt  }
0x6c: {  	_ =	shalt  }
0x6d: {  	_ =	shalt  }
0x6e: {  	_ =	shalt  }
0x6f: {  	_ =	shalt  }
0x70: {  	_ =	shalt  }
0x71: {  	_ =	shalt  }
0x72: {  	_ =	shalt  }
0x73: {  	_ =	shalt  }
0x74: {  	_ =	shalt  }
0x75: {  	_ =	shalt  }
0x76: {  	_ =	shalt  }
0x77: {  	_ =	shalt  }
0x78: {  	_ =	shalt  }
0x79: {  	_ =	shalt  }
0x7a: {  	_ =	shalt  }
0x7b: {  	_ =	shalt  }
0x7c: {  	_ =	shalt  }
0x7d: {  	_ =	shalt  }
0x7e: {  	_ =	shalt  }
0x7f: {  	_ =	shalt  }
0x80: {  	_ =	shalt  }
0x81: {  	_ =	shalt  }
0x82: {  	_ =	shalt  }
0x83: {  	_ =	shalt  }
0x84: {  	_ =	shalt  }
0x85: {  	_ =	shalt  }
0x86: {  	_ =	shalt  }
0x87: {  	_ =	shalt  }
.Lfunc_end0:
.L_simem_size_0:
called_computation_lowered:
.L_overlay_start_0:
0x88: {  	s0 =	sld [smem:$0x3FD9]  }
0x89: {  	s1 =	sld [smem:$0x3FFE];
	_ =	sdelay $0x3  }
0x8a: {  	s0 =	sadd.s32 s1, s0  }
0x8b: {  	[smem:$0x3FC4] =	sst s0  }
0x8c: {  	_ = 	snop  }
0x8d: {  	s0 =	sld [smem:$0x3FC9]  }
0x8e: {  	s16 =	sld [smem:$0x3FC8];
	(tm) =	ssettm $0x1  }
0x8f: {  	s2 =	sld [smem:$0x3FFB];
	_ =	sdelay $0x3  }
0x90: {  	_ =	strace s2  }
0x91: {  	s2 =	sld [smem:$0x3FFC];
	_ =	sdelay $0x3  }
0x92: {  	_ =	strace s2  }
0x93: {  	s2 =	sld [smem:$0x3FFD];
	_ =	sdelay $0x3  }
0x94: {  	_ =	strace s2  }
0x95: {  	_ =	strace $0x8FFFFFFF  }
0x96: {  	s17 =	sld [smem:$0x3FDB];
	_ =	sdelay $0x1  }
0x97: {  	s3 =	simm.s32 $_scs_section_size  }
0x98: {  	s4 =	simm.s32 $_size__tile_overlayer_lowered;
	s5 =	simm.s32 $_tile_overlayer_lowered  }
0x99: {  	s20 =	simm.s32 $0x1BFF;
	s19 =	sshll.u32 s5, $0x1;
	s2 =	sadd.s32 s3, s17  }
0x9a: {  	s6 =	simm.s32 $0x0;
	s18 =	sshll.u32 s4, $0x1;
	s4 =	sadd.s32 s19, s2  }
0x9b: {  	[timem:s6], [sflag:s20] =	dma.local [hbm:s4], s18  }
0x9c: {  	_ =	swait.ge [sflag:s20], s18  }
0x9d: {  	s3 =	ssub.s32 $0x0, s18;
	[sflag:s20] =	ssyncset.done $0x0  }
0x9e: {  	[sflag:s20] =	ssyncadd.s32 s3;
	_ =	sdelay $0x1  }
0x9f: {  	s21 =	simm.s32 $0x1B8B  }
0xa0: {  	_ =	swait.ge [sflag:s21], $0x1  }
0xa1: {  	[sflag:s21] =	ssyncset.done $0x0  }
0xa2: {  	s23 =	simm.s32 $0x1B8E;
	s22 =	sld [smem:$0x3FFE];
	[sflag:s21] =	ssyncadd.s32 $0xFFFFFFFF  }
0xa3: {  	s24 =	simm.s32 $execute0_lowered;
	[smem:$0x3FD2] =	sst s23  }
0xa4: {  	s4 =	sshll.u32 s24, $0x1;
	_ =	strace $0x80000046;
	[dreg:$0x1] =	wrdreg $0xFFFFFFFF  }
0xa5: {  	s25 =	simm.s32 $_size_execute0_lowered;
	s2 =	sadd.s32 s2, s4;
	[dreg:$0x0] =	wrdreg $0x0  }
0xa6: {  	s4 =	sshll.u32 s25, $0x1;
	[dreg:$0x2] =	wrdreg s2  }
0xa7: {  	[dreg:$0x3] =	wrdreg s4  }
0xa8: {  	[dreg:$0x4] =	wrdreg $0xC0  }
0xa9: {  	_ =	task [dreg:s6], $0x5FFFF  }
0xaa: {  	[dreg:$0x1] =	wrdreg $0xFFFFFFFF  }
0xab: {  	[dreg:$0x0] =	wrdreg $0x60  }
0xac: {  	[dreg:$0x2] =	wrdreg s0  }
0xad: {  	[dreg:$0x3] =	wrdreg s16  }
0xae: {  	[dreg:$0x4] =	wrdreg s22  }
0xaf: {  	[dreg:$0x5] =	wrdreg $0x1DB800  }
0xb0: {  	[dreg:$0x6] =	wrdreg $0x1DE280  }
0xb1: {  	[dreg:$0x7] =	wrdreg $0x1DE000  }
0xb2: {  	[dreg:$0x8] =	wrdreg $0x9  }
0xb3: {  	_ =	task.clear_ibuf [dreg:s6], $0x9FFFF;
	_ =	strace $0x90000046  }
0xb4: {  	s26 =	simm.s32 $0x9;
	_ =	strace $0x8000004F  }
0xb5: {  	_ =	swait.ge [sflag:s26], $0x1  }
0xb6: {  	[sflag:s26] =	ssyncadd.s32 $0xFFFFFFFF  }
0xb7: {  	_ =	strace $0x9000004F  }
0xb8: {  	_ =	sfence  }
0xb9: {  	s28 =	sld [smem:$0x0];
	_ =	sdelay $0x1  }
0xba: {  	s29 =	srdreg.scid  }
0xbb: {  	s30 =	sshll.u32 s29, $0xD;
	s31 =	sshrl.u32 s29, $0x2  }
0xbc: {  	s1 =	sand.u32 $0x1, s29;
	s2 =	sand.u32 $0x4000, s30;
	s0 =	sadd.s32 s31, s28  }
0xbd: {  	s1 =	sor.u32 s2, s1;
	s0 =	sshll.u32 s0, $0x11  }
0xbe: {  	s0 =	sor.u32 s0, s1  }
0xbf: {  	s0 =	sadd.s32 $0x8F2B, s0  }
0xc0: {  	[sflag:s0] =	ssyncadd.remote.s32 $0x1  }
0xc1: {  	_ =	sfence.sel $0xFFFF  }
0xc2: {  	[dreg:$0x0] =	wrdreg $0xFFFFFFFF;
	(pc) =	sbr.abs _section_cstart, $3  }
0xc3: {  	[dreg:$0x1] =	wrdreg $0xFFFFFFFF  }
0xc4: {  	_ =	task.clear_ibuf [dreg:s6], $0x2FFFF;
	_ =	strace $0x9FFFFFFF  }
0xc5: {  	(tm) =	ssettm $0x7FFFFFFF  }
tec
execute0_lowered:
.L_overlay_start_1:
0x0: {  	(tag) =	ssettag $0x1  }
0x1: {  	s1 =	rddreg [dreg:$0x0]  }
0x2: {  	s4 =	rddreg [dreg:$0x1]  }
0x3: {  	s5 =	rddreg [dreg:$0x2]  }
0x4: {  	s7 =	rddreg [dreg:$0x3]  }
0x5: {  	s6 =	rddreg [dreg:$0x4]  }
0x6: {  	s2 =	rddreg [dreg:$0x5];
	s8 =	simm.s32 $0x0;
	s3 =	stileid.u32  }
0x7: {  	[smem:$0x7FF] =	sst s8;
	s9 =	smul.u32 $0x9C0, s3  }
0x8: {  	s0 =	rddreg [dreg:$0x6];
	_ =	strace $0x80000047  }
0x9: {  	s4 =	sadd.s32 s4, s9;
	_ =	strace $0x80000048  }
0xa: {  	[tilespmem:s8], [sflag:$0x1] =	stream.linear.gather [hbm4b:s4+s8], $0x5000, $0x200038;
	[tilespmem:$0x1DE38] =	vst v63  }
0xb: {  	v1 =	vimm.s32 $0x0;
	s9 =	simm.s32 $0x5200;
	_ =	strace $0x90000048  }
0xc: {  	_ =	strace $0x80000049;
	[tilespmem:s9+$0xFFFFFE00] =	vst v1  }
0xd: {  	[tilespmem:s9+$0x180] =	vst v1  }
0xe: {  	[tilespmem:s9+$0x100] =	vst v1  }
0xf: {  	[tilespmem:s9+$0x80] =	vst v1  }
0x10: {  	[tilespmem:s9+$0x0] =	vst v1  }
0x11: {  	[tilespmem:s9+$0xFFFFFF80] =	vst v1  }
0x12: {  	s10 =	sadd.s32 $0xA00, s5;
	s4 =	simm.s32 $0x0;
	[tilespmem:s9+$0xFFFFFF00] =	vst v1  }
.LBB2_1:
0x13: {  	s4 =	sadd.s32 $0x8, s4;
	[tilespmem:s9+$0xFFFFFE80] =	vst v1;
	s9 =	sadd.s32 $0x400, s9  }
0x14: {  	[tilespmem:s9+$0xFFFFFE00] =	vst v1;
	p0 =	slt.u32 s4, $0x278  }
0x15: {  	[tilespmem:s9+$0x180] =	vst v1  }
.Ltmp0:
0x16: {  	[tilespmem:s9+$0x100] =	vst v1;
	(pc) =	sbr.rel @p0 .LBB2_1-.Ltmp0, $4  }
0x17: {  	[tilespmem:s9+$0x80] =	vst v1  }
0x18: {  	[tilespmem:s9+$0x0] =	vst v1  }
0x19: {  	[tilespmem:s9+$0xFFFFFF80] =	vst v1  }
0x1a: {  	[tilespmem:s9+$0xFFFFFF00] =	vst v1  }
0x1b: {  	s4 =	simm.s32 $0x30;
	s5 =	simm.s32 $0x0  }
0x1c: {  	s8 =	simm.s32 $0x0;
	s14 =	simm.s32 $0x20;
	s11 =	simm.s32 $0x10  }
0x1d: {  	s16 =	sand.u32 $0x70, s4;
	s12 =	sand.u32 $0x40, s8;
	s13 =	sand.u32 $0x380, s8  }
0x1e: {  	v0 =	vlaneseq.u32;
	s15 =	sand.u32 $0x50, s11;
	s17 =	sand.u32 $0x60, s14;
	s13 =	sadd.s32 $0x1B480, s13  }
0x1f: {  	[tilespmem:s9+$0xFFFFFE80] =	vst v1;
	v1 =	vor.u32 s4, v0;
	v2 =	vor.u32 s14, v0;
	s9 =	sor.u32 s15, s13;
	s15 =	sor.u32 s17, s13;
	s14 =	sor.u32 s16, s13  }
.LBB2_3:
0x20: {  	s5 =	sadd.s32 $0x4, s5  }
0x21: {  	s12 =	sor.u32 s12, s13;
	[tilespmem:s15+$0x0] =	vst v2;
	s4 =	sadd.s32 $0x40, s4;
	p0 =	slt.u32 s5, $0x24  }
.Ltmp1:
0x22: {  	v2 =	vor.u32 s8, v0;
	v3 =	vor.u32 s11, v0;
	[tilespmem:s14+$0x0] =	vst v1;
	v1 =	vor.u32 s4, v0;
	(pc) =	sbr.rel @p0 .LBB2_3-.Ltmp1, $4  }
0x23: {  	s8 =	sadd.s32 $0xFFFFFFD0, s4;
	s14 =	sadd.s32 $0xFFFFFFF0, s4;
	s16 =	sand.u32 $0x70, s4;
	[tilespmem:s12+$0x0] =	vst v2  }
0x24: {  	s11 =	sadd.s32 $0xFFFFFFE0, s4;
	s12 =	sand.u32 $0x40, s8;
	s13 =	sand.u32 $0x380, s8;
	[tilespmem:s9+$0x0] =	vst v3  }
0x25: {  	s15 =	sand.u32 $0x60, s14;
	s13 =	sadd.s32 $0x1B480, s13;
	s9 =	sand.u32 $0x50, s11  }
0x26: {  	v2 =	vor.u32 s14, v0;
	s9 =	sor.u32 s9, s13;
	s15 =	sor.u32 s15, s13;
	s14 =	sor.u32 s16, s13  }
0x27: {  	[tilespmem:s15+$0x0] =	vst v2;
	s4 =	smul.u32 $0x5000, s3  }
0x28: {  	s5 =	sor.u32 s12, s13;
	v2 =	vor.u32 s8, v0;
	[tilespmem:s14+$0x0] =	vst v1  }
0x29: {  	v0 =	vor.u32 s11, v0;
	[tilespmem:s5+$0x0] =	vst v2;
	s4 =	sshrl.u32 s4, $0x2  }
0x2a: {  	s24 =	simm.s32 $0x2;
	[tilespmem:s9+$0x0] =	vst v0;
	s9 =	simm.s32 $0x5000;
	s8 =	sadd.s32 s4, s7  }
0x2b: {  	[spmem:s8] =	stream.linear.scatter [tilespmem:s9], [sflag:$0x2], $0x1400, $0x200038;
	[tilespmem:$0x1DE38] =	vst v63  }
0x2c: {  	_ =	swait.ge [sflag:s24], $0x1400  }
0x2d: {  	p0 =	sne.s32 s3, $0x0;
	[sflag:s24] =	ssyncset.done $0x0  }
0x2e: {  	v0 =	vimm.s32 @!p0 $0x0;
	[sflag:s24] =	ssyncadd.s32 $0xFFFFEC00  }
0x2f: {  	[tilespmem:$0x1B880] =	vst @!p0 v0  }
0x30: {  	[tilespmem:$0x1B890] =	vst @!p0 v0  }
0x31: {  	[tilespmem:$0x1B8A0] =	vst @!p0 v0  }
0x32: {  	[tilespmem:$0x1B8B0] =	vst @!p0 v0  }
0x33: {  	[tilespmem:$0x1B8C0] =	vst @!p0 v0  }
0x34: {  	[tilespmem:$0x1B8D0] =	vst @!p0 v0  }
0x35: {  	[tilespmem:$0x1B8E0] =	vst @!p0 v0  }
0x36: {  	[tilespmem:$0x1B8F0] =	vst @!p0 v0  }
0x37: {  	[tilespmem:$0x1B900] =	vst @!p0 v0  }
0x38: {  	[tilespmem:$0x1B910] =	vst @!p0 v0  }
0x39: {  	[tilespmem:$0x1B920] =	vst @!p0 v0  }
0x3a: {  	[tilespmem:$0x1B930] =	vst @!p0 v0  }
0x3b: {  	[tilespmem:$0x1B940] =	vst @!p0 v0  }
0x3c: {  	[tilespmem:$0x1B950] =	vst @!p0 v0  }
0x3d: {  	[tilespmem:$0x1B960] =	vst @!p0 v0  }
0x3e: {  	[tilespmem:$0x1B970] =	vst @!p0 v0  }
0x3f: {  	[tilespmem:$0x1B980] =	vst @!p0 v0  }
0x40: {  	[tilespmem:$0x1B990] =	vst @!p0 v0  }
0x41: {  	[tilespmem:$0x1B9A0] =	vst @!p0 v0  }
0x42: {  	[tilespmem:$0x1B9B0] =	vst @!p0 v0  }
0x43: {  	[tilespmem:$0x1B9C0] =	vst @!p0 v0  }
0x44: {  	[tilespmem:$0x1B9D0] =	vst @!p0 v0  }
0x45: {  	[tilespmem:$0x1B9E0] =	vst @!p0 v0  }
0x46: {  	[tilespmem:$0x1B9F0] =	vst @!p0 v0  }
0x47: {  	[tilespmem:$0x1BA00] =	vst @!p0 v0  }
0x48: {  	[tilespmem:$0x1BA10] =	vst @!p0 v0  }
0x49: {  	[tilespmem:$0x1BA20] =	vst @!p0 v0  }
0x4a: {  	[tilespmem:$0x1BA30] =	vst @!p0 v0  }
0x4b: {  	[tilespmem:$0x1BA40] =	vst @!p0 v0  }
0x4c: {  	[tilespmem:$0x1BA50] =	vst @!p0 v0  }
0x4d: {  	[tilespmem:$0x1BA60] =	vst @!p0 v0  }
0x4e: {  	[tilespmem:$0x1BA70] =	vst @!p0 v0  }
0x4f: {  	s4 =	simm.s32 @!p0 $0x1B880;
	[tilespmem:$0x1BA80] =	vst @!p0 v0  }
0x50: {  	[spmem:s2] =	stream.linear.scatter @!p0 [tilespmem:s4], [sflag:$0x2], $0x280, $0x200038;
	[tilespmem:$0x1DE38] =	vst v63  }
0x51: {  	s4 =	simm.s32 @!p0 $0x2  }
0x52: {  	_ =	swait.ge @!p0 [sflag:s4], $0x280  }
0x53: {  	[sflag:s4] =	ssyncset.done @!p0 $0x0  }
0x54: {  	[sflag:s4] =	ssyncadd.s32 @!p0 $0xFFFFFD80  }
0x55: {  	_ =	strace $0x90000049  }
0x56: {  	s25 =	simm.s32 $0x1;
	_ =	strace $0x8000004A  }
0x57: {  	_ =	swait.ge [sflag:s25], $0x5000  }
0x58: {  	[sflag:s25] =	ssyncset.done $0x0  }
0x59: {  	s26 =	simm.s32 $0x40;
	[sflag:s25] =	ssyncadd.s32 $0xFFFFB000  }
0x5a: {  	v2 =	vld [tilespmem:s26+$0x30]  }
0x5b: {  	v3 =	vld [tilespmem:s26+$0xFFFFFFD0]  }
0x5c: {  	v4 =	vld [tilespmem:s26+$0xFFFFFFE0]  }
0x5d: {  	v6 =	vld [tilespmem:s26+$0x0]  }
0x5e: {  	v7 =	vld [tilespmem:s26+$0x10]  }
0x5f: {  	v10 =	vld [tilespmem:s26+$0x20]  }
0x60: {  	v11 =	vld [tilespmem:s26+$0xFFFFFFC0];
	_ =	sdelay $0x1  }
0x61: {  	v1 =	vimm.s32 $0x1;
	v8 =	vshll.u32 v2, $0x3  }
0x62: {  	v9 =	vshll.u32 v3, $0x3;
	v2 =	vand.u32 $0xF, v2;
	v12 =	vshll.u32 v4, $0x3  }
0x63: {  	v5 =	vld [tilespmem:s26+$0xFFFFFFF0];
	v4 =	vand.u32 $0xF, v4;
	v13 =	vshll.u32 v6, $0x3;
	v14 =	vshll.u32 v7, $0x3  }
0x64: {  	s28 =	simm.s32 $0x140;
	v16 =	vand.u32 $0xF, v6;
	v6 =	vshll.u32 v10, $0x3;
	v18 =	vand.u32 $0xF, v11  }
0x65: {  	v15 =	vld [tilespmem:s28+$0x30];
	v11 =	vshll.u32 v11, $0x3;
	v10 =	vand.u32 $0xF, v10;
	v8 =	vand.u32 $0xFFFFFF80, v8  }
0x66: {  	v17 =	vld [tilespmem:s28+$0xFFFFFFD0];
	v9 =	vand.u32 $0xFFFFFF80, v9;
	v12 =	vand.u32 $0xFFFFFF80, v12;
	v14 =	vand.u32 $0xFFFFFF80, v14  }
0x67: {  	v20 =	vld [tilespmem:s28+$0xFFFFFFE0];
	v19 =	vand.u32 $0xFFFFFF80, v6;
	v6 =	vand.u32 $0xFFFFFF80, v11;
	v8 =	vor.u32 v2, v8  }
0x68: {  	v11 =	vand.u32 $0xF, v7;
	v2 =	vand.u32 $0xF, v3;
	v3 =	vshll.u32 v5, $0x3  }
0x69: {  	v5 =	vand.u32 $0xF, v5;
	v18 =	vor.u32 v18, v6;
	v23 =	vor.u32 v4, v12  }
0x6a: {  	v21 =	vld [tilespmem:s28+$0xFFFFFFF0];
	v3 =	vand.u32 $0xFFFFFF80, v3;
	v22 =	vor.u32 v2, v9;
	v9 =	vshll.u32 v15, $0x3  }
0x6b: {  	v6 =	vld [tilespmem:s28+$0x0];
	v2 =	vor.u32 v10, v19;
	v10 =	vshll.u32 v17, $0x3;
	v7 =	vor.u32 v5, v3  }
0x6c: {  	v4 =	vld [tilespmem:s28+$0x10];
	v3 =	vor.u32 v11, v14;
	v11 =	vand.u32 $0xF, v15;
	[tilespmem:v8+s9+$0x0] =	vst.idx.msk $0xffff, v1;
	v8 =	vshll.u32 v20, $0x3  }
0x6d: {  	v12 =	vand.u32 $0xFFFFFF80, v9;
	v9 =	vand.u32 $0xFFFFFF80, v10;
	v10 =	vand.u32 $0xFFFFFF80, v8;
	v8 =	vld [tilespmem:s28+$0x20]  }
0x6e: {  	v13 =	vand.u32 $0xFFFFFF80, v13;
	v12 =	vor.u32 v11, v12;
	v11 =	vand.u32 $0xF, v17;
	v17 =	vld [tilespmem:s28+$0xFFFFFFC0]  }
0x6f: {  	s29 =	sshll.u32 s3, $0x7;
	s30 =	sshll.u32 s3, $0x5;
	s31 =	sshll.u32 s3, $0xA;
	v0 =	vmov s3;
	v5 =	vor.u32 v16, v13;
	v13 =	vshll.u32 v21, $0x3;
	[tilespmem:v18+s9+$0x0] =	vst.idx.msk $0xffff, v1  }
0x70: {  	s12 =	simm.s32 $0x240;
	s11 =	sadd.s32 s29, s6;
	s5 =	smul.u32 $0x280, s3;
	v14 =	vand.u32 $0xF, v20;
	v16 =	vand.u32 $0xF, v21;
	v15 =	vshll.u32 v6, $0x3;
	[tilespmem:v23+s9+$0x0] =	vst.idx.msk $0xffff, v1  }
0x71: {  	s3 =	sadd.s32 s10, s31;
	s10 =	simm.s32 $0x8;
	s4 =	sadd.s32 s30, s2;
	v13 =	vand.u32 $0xFFFFFF80, v13;
	v18 =	vshll.u32 v4, $0x3;
	[tilespmem:v22+s9+$0x0] =	vst.idx.msk $0xffff, v1;
	v15 =	vand.u32 $0xFFFFFF80, v15  }
.LBB2_5:
0x72: {  	v19 =	vld [tilespmem:s12+$0x30];
	s10 =	sadd.s32 $0x8, s10;
	v20 =	vand.u32 $0xF, v6;
	v18 =	vand.u32 $0xFFFFFF80, v18;
	v6 =	vshll.u32 v8, $0x3;
	[tilespmem:v7+s9+$0x0] =	vst.idx.msk $0xffff, v1  }
0x73: {  	v21 =	vld [tilespmem:s12+$0xFFFFFFD0];
	p1 =	slt.u32 s10, $0x278;
	v7 =	vand.u32 $0xF, v17;
	v17 =	vshll.u32 v17, $0x3;
	v22 =	vand.u32 $0xFFFFFF80, v6;
	[tilespmem:v12+s9+$0x0] =	vst.idx.msk $0xffff, v1  }
0x74: {  	v4 =	vand.u32 $0xF, v4;
	v8 =	vand.u32 $0xF, v8;
	v23 =	vld [tilespmem:s12+$0xFFFFFFE0];
	v6 =	vand.u32 $0xFFFFFF80, v17;
	[tilespmem:v5+s9+$0x0] =	vst.idx.msk $0xffff, v1  }
0x75: {  	v26 =	vor.u32 v11, v9;
	v27 =	vor.u32 v14, v10;
	v24 =	vld [tilespmem:s12+$0xFFFFFFF0];
	v25 =	vor.u32 v7, v6  }
0x76: {  	v9 =	vor.u32 v4, v18;
	v5 =	vor.u32 v20, v15;
	v7 =	vor.u32 v16, v13;
	v6 =	vld [tilespmem:s12+$0x0]  }
0x77: {  	v11 =	vor.u32 v8, v22;
	v4 =	vld [tilespmem:s12+$0x10];
	v10 =	vshll.u32 v19, $0x3;
	[tilespmem:v3+s9+$0x0] =	vst.idx.msk $0xffff, v1;
	v3 =	vmov v9  }
.Ltmp2:
0x78: {  	v12 =	vand.u32 $0xF, v19;
	v9 =	vshll.u32 v21, $0x3;
	v8 =	vld [tilespmem:s12+$0x20];
	v10 =	vand.u32 $0xFFFFFF80, v10;
	[tilespmem:v2+s9+$0x0] =	vst.idx.msk $0xffff, v1;
	v2 =	vmovc v11;
	(pc) =	sbr.rel @p1 .LBB2_5-.Ltmp2, $4  }
0x79: {  	v17 =	vld [tilespmem:s12+$0xFFFFFFC0];
	v9 =	vand.u32 $0xFFFFFF80, v9;
	v13 =	vshll.u32 v23, $0x3;
	v12 =	vor.u32 v12, v10  }
0x7a: {  	v11 =	vand.u32 $0xF, v21;
	v10 =	vand.u32 $0xFFFFFF80, v13;
	v13 =	vshll.u32 v24, $0x3;
	[tilespmem:v25+s9+$0x0] =	vst.idx.msk $0xffff, v1  }
0x7b: {  	v14 =	vand.u32 $0xF, v23;
	v13 =	vand.u32 $0xFFFFFF80, v13;
	v15 =	vshll.u32 v6, $0x3;
	[tilespmem:v26+s9+$0x0] =	vst.idx.msk $0xffff, v1  }
0x7c: {  	s12 =	sadd.s32 $0x100, s12;
	v16 =	vand.u32 $0xF, v24;
	v15 =	vand.u32 $0xFFFFFF80, v15;
	v18 =	vshll.u32 v4, $0x3;
	[tilespmem:v27+s9+$0x0] =	vst.idx.msk $0xffff, v1  }
0x7d: {  	_ =	sdelay $0x3  }
0x7e: {  	[tilespmem:v7+s9+$0x0] =	vst.idx.msk $0xffff, v1;
	v9 =	vor.u32 v11, v9  }
0x7f: {  	[tilespmem:v12+s9+$0x0] =	vst.idx.msk $0xffff, v1;
	v61 =	vor.u32 v14, v10;
	v6 =	vand.u32 $0xF, v6  }
0x80: {  	v62 =	vand.u32 $0xFFFFFF80, v18;
	v63 =	vor.u32 v16, v13;
	[tilespmem:v3+s9+$0x0] =	vst.idx.msk $0xffff, v1;
	v3 =	vshll.u32 v8, $0x3  }
0x81: {  	[tilespmem:v5+s9+$0x0] =	vst.idx.msk $0xffff, v1;
	v4 =	vand.u32 $0xF, v4;
	v19 =	vshll.u32 v17, $0x3;
	v6 =	vor.u32 v6, v15  }
0x82: {  	[tilespmem:v2+s9+$0x0] =	vst.idx.msk $0xffff, v1;
	v2 =	vand.u32 $0xFFFFFF80, v3;
	v3 =	vand.u32 $0xF, v8;
	v4 =	vor.u32 v4, v62  }
0x83: {  	v59 =	vand.u32 $0xF, v17;
	v19 =	vand.u32 $0xFFFFFF80, v19;
	v2 =	vor.u32 v3, v2;
	[tilespmem:v9+s9+$0x0] =	vst.idx.msk $0xffff, v1  }
0x84: {  	v60 =	vor.u32 v59, v19;
	[tilespmem:v61+s9+$0x0] =	vst.idx.msk $0xffff, v1  }
0x85: {  	[tilespmem:v63+s9+$0x0] =	vst.idx.msk $0xffff, v1  }
0x86: {  	[tilespmem:v6+s9+$0x0] =	vst.idx.msk $0xffff, v1  }
0x87: {  	[tilespmem:v4+s9+$0x0] =	vst.idx.msk $0xffff, v1  }
0x88: {  	[tilespmem:v2+s9+$0x0] =	vst.idx.msk $0xffff, v1  }
0x89: {  	[tilespmem:v60+s9+$0x0] =	vst.idx.msk $0xffff, v1  }
0x8a: {  	_ =	strace $0x9000004A  }
0x8b: {  	s18 =	simm.s32 $0x80;
	[bflag:$0x0] =	sbarrier.arrive $0xFFFF  }
0x8c: {  	s10 =	simm.s32 $0x1B480;
	s12 =	simm.s32 $0x5000;
	_ =	strace $0x8000004B  }
0x8d: {  	[spmem:s7] =	stream.indirect.scatter.add.s32 [tilespmem:s12], [sflag:$0x1], $0x10, s10, s18, $0x2000b8;
	[tilespmem:$0x1DE38] =	vst v63  }
0x8e: {  	s19 =	simm.s32 $0x1B500;
	s20 =	simm.s32 $0x9000  }
0x8f: {  	[spmem:s7] =	stream.indirect.scatter.add.s32 [tilespmem:s20], [sflag:$0x1], $0x10, s19, s18, $0x2000b8;
	[tilespmem:$0x1DE38] =	vst v63  }
0x90: {  	s21 =	simm.s32 $0x1B580;
	s22 =	simm.s32 $0xD000  }
0x91: {  	[spmem:s7] =	stream.indirect.scatter.add.s32 [tilespmem:s22], [sflag:$0x1], $0x10, s21, s18, $0x2000b8;
	[tilespmem:$0x1DE38] =	vst v63  }
0x92: {  	s23 =	simm.s32 $0x1B600;
	s24 =	simm.s32 $0x11000  }
0x93: {  	[spmem:s7] =	stream.indirect.scatter.add.s32 [tilespmem:s24], [sflag:$0x1], $0x10, s23, s18, $0x2000b8;
	[tilespmem:$0x1DE38] =	vst v63  }
0x94: {  	s25 =	simm.s32 $0x1B680;
	s26 =	simm.s32 $0x15000;
	s28 =	simm.s32 $0x1  }
0x95: {  	[spmem:s7] =	stream.indirect.scatter.add.s32 [tilespmem:s26], [sflag:$0x1], $0x10, s25, s18, $0x2000b8;
	[tilespmem:$0x1DE38] =	vst v63  }
0x96: {  	_ =	swait.ge [sflag:s28], $0x800  }
0x97: {  	[sflag:s28] =	ssyncset.done $0x0  }
0x98: {  	[sflag:s28] =	ssyncadd.s32 $0xFFFFF800  }
0x99: {  	_ =	swait.ge [sflag:s28], $0x800  }
0x9a: {  	[sflag:s28] =	ssyncset.done $0x0  }
0x9b: {  	[sflag:s28] =	ssyncadd.s32 $0xFFFFF800  }
0x9c: {  	_ =	swait.ge [sflag:s28], $0x800  }
0x9d: {  	[sflag:s28] =	ssyncset.done $0x0  }
0x9e: {  	[sflag:s28] =	ssyncadd.s32 $0xFFFFF800  }
0x9f: {  	_ =	swait.ge [sflag:s28], $0x800  }
0xa0: {  	[sflag:s28] =	ssyncset.done $0x0  }
0xa1: {  	[sflag:s28] =	ssyncadd.s32 $0xFFFFF800  }
0xa2: {  	_ =	swait.ge [sflag:s28], $0x800  }
0xa3: {  	[sflag:s28] =	ssyncset.done $0x0  }
0xa4: {  	[sflag:s28] =	ssyncadd.s32 $0xFFFFF800  }
0xa5: {  	_ =	strace $0x9000004B  }
0xa6: {  	[bflag:$0x0] =	sbarrier.arrive $0xFFFF  }
0xa7: {  	s29 =	simm.s32 $0x19000;
	s30 =	simm.s32 $0x2;
	_ =	strace $0x8000004C  }
0xa8: {  	[tilespmem:s29], [sflag:$0x2] =	stream.linear.gather [spmem:s8], $0x1400, $0x200038;
	[tilespmem:$0x1DE38] =	vst v63  }
0xa9: {  	_ =	swait.ge [sflag:s30], $0x1400  }
0xaa: {  	[sflag:s30] =	ssyncset.done $0x0  }
0xab: {  	s31 =	simm.s32 $0x0;
	[sflag:s30] =	ssyncadd.s32 $0xFFFFEC00  }
0xac: {  	v2 =	vld [tilespmem:s31+$0x19000]  }
0xad: {  	v1 =	vimm.s32 $0x0;
	s7 =	simm.s32 $0x200  }
.LBB2_7:
0xae: {  	p1 =	sne.s32 s7, $0x4E00  }
.Ltmp3:
0xaf: {  	_ = 	snop;
	(pc) =	sbr.rel @p1 .LBB2_7-.Ltmp3, $4  }
0xb0: {  	_ = 	snop  }
0xb1: {  	s8 =	sshra.s32 s7, $0x2;
	s7 =	sadd.s32 $0x200, s7;
	vm0 =	vlt.s32 v2, $0x1  }
0xb2: {  	v3 =	vnsel vm0, $0x1, v2;
	v2 =	vld [tilespmem:s8+$0x19000]  }
0xb3: {  	v1 =	vadd.s32 v1, v3  }
0xb4: {  	_ =	sdelay $0x2  }
0xb5: {  	vm0 =	vlt.s32 v2, $0x1  }
0xb6: {  	v2 =	vnsel vm0, $0x1, v2  }
0xb7: {  	v1 =	vadd.s32 v1, v2  }
0xb8: {  	(xrf0) =	vadd.scan.msk.s32 $0xffff, v1;
	_ =	sdelay $0x5  }
0xb9: {  	v1, _, _ =	vpop (xrf0)  }
0xba: {  	v1 =	vbroadcast v1, $0xF;
	_ =	sdelay $0x1  }
0xbb: {  	s7 =	simm.s32 $0x1A400;
	s28 =	simm.s32 $0x2;
	[tilespmem:$0x1A400] =	vst v1  }
0xbc: {  	[spmem:s11] =	stream.linear.scatter [tilespmem:s7], [sflag:$0x2], $0x80, $0x200038;
	[tilespmem:$0x1DE38] =	vst v63  }
0xbd: {  	_ =	swait.ge [sflag:s28], $0x80  }
0xbe: {  	[sflag:s28] =	ssyncset.done $0x0  }
0xbf: {  	[sflag:s28] =	ssyncadd.s32 $0xFFFFFF80  }
0xc0: {  	v1 =	vlaneseq.u32;
	_ =	strace $0x9000004C  }
0xc1: {  	v2 =	vmul.u32 $0x81, v1;
	[bflag:$0x0] =	sbarrier.arrive $0xFFFF  }
0xc2: {  	s8 =	simm.s32 $0x1A480;
	_ =	strace $0x8000004D  }
0xc3: {  	[tilespmem:s8], [sflag:$0x2] =	stream.linear.gather [spmem:s6], $0x800, $0x200038;
	[tilespmem:$0x1DE38] =	vst v63  }
0xc4: {  	_ =	swait.ge [sflag:s28], $0x800  }
0xc5: {  	[sflag:s28] =	ssyncset.done $0x0  }
0xc6: {  	[sflag:s28] =	ssyncadd.s32 $0xFFFFF800  }
0xc7: {  	v2 =	vld.idx.msk [tilespmem:v2+s8+$0x0], $0xffff;
	_ =	sdelay $0x3  }
0xc8: {  	vm14 =	vgt.u32 v0, v1  }
0xc9: {  	v0 =	vnsel vm14, $0x0, v2  }
0xca: {  	(xrf0) =	vadd.scan.msk.s32 $0xffff, v0;
	_ =	sdelay $0x5  }
0xcb: {  	v0, _, _ =	vpop (xrf0)  }
0xcc: {  	(v2sf) =	vpush v0, $0xF;
	_ =	sdelay $0x4  }
0xcd: {  	s29 =	simm.s32 $0x19000  }
0xce: {  	v0 =	vld [tilespmem:s29+$0x0];
	_ =	sdelay $0x4  }
0xcf: {  	v2 =	vimm.s32 $0x0;
	vm15 =	vgt.s32 v0, $0x0  }
0xd0: {  	v0 =	vsel vm15, $0x1, v2  }
0xd1: {  	(xrf0) =	vadd.scan.msk.s32 $0xffff, v0;
	_ =	sdelay $0x1  }
0xd2: {  	s6 =	spop (v2sf)  }
0xd3: {  	s30 =	sadd.s32 $0x0, s6  }
0xd4: {  	v0 =	vmov s30  }
0xd5: {  	v0 =	vadd.s32 $0xFFFFFFFF, v0  }
0xd6: {  	v3, _, _ =	vpop (xrf0);
	v0 =	vbroadcast v0, $0x0  }
0xd7: {  	(v2sf) =	vpush v3, $0xF  }
0xd8: {  	v4 =	vadd.s32 v3, v0  }
0xd9: {  	vm1 =	vlt.s32 v4, $0x1F4  }
0xda: {  	v0 =	vor.u32 $0x200, v1;
	vm0 =	vmand vm15, vm1  }
0xdb: {  	s31 =	simm.s32 $0x0;
	v5 =	vor.u32 s5, v1;
	v4 =	vsel vm0, v4, v0  }
0xdc: {  	[tilespmem:s31+$0x1AC80] =	vst v4;
	v4 =	vnsel vm0, $0x0, v5  }
0xdd: {  	s10 =	simm.s32 $0x19080;
	s9 =	simm.s32 $0x0;
	[tilespmem:s31+$0x1B080] =	vst v4  }
0xde: {  	s7 =	simm.s32 $0x40;
	s11 =	simm.s32 $0x80;
	s8 =	smov.u32 s5;
	v3 =	vld [tilespmem:s10+$0x0]  }
.LBB2_9:
0xdf: {  	p1 =	sne.s32 s11, $0x1C0;
	_ =	sdelay $0x3  }
0xe0: {  	vm0 =	vgt.s32 v3, $0x0  }
0xe1: {  	v3 =	vsel vm0, $0x1, v2  }
0xe2: {  	(xrf0) =	vadd.scan.msk.s32 $0xffff, v3  }
0xe3: {  	s12 =	spop (v2sf)  }
0xe4: {  	s9 =	sadd.s32 s9, s12  }
0xe5: {  	s12 =	sadd.s32 s6, s9  }
0xe6: {  	v3 =	vmov s12  }
0xe7: {  	v3 =	vadd.s32 $0xFFFFFFFF, v3  }
0xe8: {  	v3 =	vbroadcast v3, $0x0;
	v4, _, _ =	vpop (xrf0)  }
0xe9: {  	(v2sf) =	vpush v4, $0xF  }
0xea: {  	v3 =	vadd.s32 v4, v3  }
0xeb: {  	s8 =	sadd.s32 $0x10, s8;
	vm1 =	vlt.s32 v3, $0x1F4  }
.Ltmp4:
0xec: {  	v4 =	vor.u32 s8, v1;
	vm0 =	vmand vm0, vm1;
	(pc) =	sbr.rel @p1 .LBB2_9-.Ltmp4, $4  }
0xed: {  	s12 =	sshra.s32 s7, $0x2;
	s7 =	smov.u32 s11;
	v3 =	vsel vm0, v3, v0;
	v4 =	vnsel vm0, $0x0, v4  }
0xee: {  	[tilespmem:s12+$0x1AC80] =	vst v3  }
0xef: {  	s10 =	sadd.s32 $0x80, s10;
	[tilespmem:s12+$0x1B080] =	vst v4  }
0xf0: {  	s11 =	sadd.s32 $0x40, s11;
	v3 =	vld [tilespmem:s10+$0x0]  }
0xf1: {  	_ =	sdelay $0x4  }
0xf2: {  	vm0 =	vgt.s32 v3, $0x0  }
0xf3: {  	v2 =	vsel vm0, $0x1, v2  }
0xf4: {  	(xrf0) =	vadd.scan.msk.s32 $0xffff, v2;
	s10 =	spop (v2sf)  }
0xf5: {  	s9 =	sadd.s32 s9, s10  }
0xf6: {  	s10 =	sadd.s32 s6, s9  }
0xf7: {  	v2 =	vmov s10  }
0xf8: {  	v2 =	vadd.s32 $0xFFFFFFFF, v2  }
0xf9: {  	v2 =	vbroadcast v2, $0x0  }
0xfa: {  	v3, _, _ =	vpop (xrf0)  }
0xfb: {  	(v2sf) =	vpush v3, $0xF;
	v2 =	vadd.s32 v3, v2  }
0xfc: {  	vm1 =	vlt.s32 v2, $0x1F4  }
0xfd: {  	s8 =	sadd.s32 $0x10, s8;
	vm0 =	vmand vm0, vm1  }
0xfe: {  	s7 =	sshra.s32 s7, $0x2;
	v1 =	vor.u32 s8, v1;
	v0 =	vsel vm0, v2, v0  }
0xff: {  	s24 =	simm.s32 $0x80;
	v1 =	vnsel vm0, $0x0, v1;
	[tilespmem:s7+$0x1AC80] =	vst v0  }
0x100: {  	s25 =	simm.s32 $0x1AC80;
	s26 =	simm.s32 $0x1B080;
	s28 =	simm.s32 $0x19400;
	[tilespmem:s7+$0x1B080] =	vst v1  }
0x101: {  	[spmem:s2] =	stream.indirect.scatter [tilespmem:s26], [sflag:$0x1], $0x1, s25, s24, $0x2000b8;
	[tilespmem:$0x1DE38] =	vst v63  }
0x102: {  	v0 =	vld [tilespmem:s28+$0x0];
	_ =	sdelay $0x4  }
0x103: {  	v1 =	vimm.s32 $0x0;
	vm14 =	vgt.s32 v0, $0x0  }
0x104: {  	v0 =	vsel vm14, $0x1, v1  }
0x105: {  	(xrf0) =	vadd.scan.msk.s32 $0xffff, v0  }
0x106: {  	s29 =	spop (v2sf)  }
0x107: {  	s7 =	sadd.s32 s9, s29  }
0x108: {  	s30 =	sadd.s32 s6, s7  }
0x109: {  	v0 =	vmov s30  }
0x10a: {  	v0 =	vadd.s32 $0xFFFFFFFF, v0  }
0x10b: {  	v0 =	vbroadcast v0, $0x0;
	v3, _, _ =	vpop (xrf0)  }
0x10c: {  	(v2sf) =	vpush v3, $0xF  }
0x10d: {  	v4 =	vadd.s32 v3, v0  }
0x10e: {  	v0 =	vlaneseq.u32;
	vm15 =	vlt.s32 v4, $0x1F4  }
0x10f: {  	s8 =	sadd.s32 $0x80, s5;
	v2 =	vor.u32 $0x200, v0;
	vm0 =	vmand vm14, vm15  }
0x110: {  	s31 =	simm.s32 $0x0;
	v5 =	vor.u32 s8, v0;
	v4 =	vsel vm0, v4, v2  }
0x111: {  	[tilespmem:s31+$0x1AD00] =	vst v4;
	v4 =	vnsel vm0, $0x0, v5  }
0x112: {  	s10 =	simm.s32 $0x19480;
	[tilespmem:s31+$0x1B100] =	vst v4  }
0x113: {  	s11 =	simm.s32 $0x80;
	s9 =	simm.s32 $0x40;
	v3 =	vld [tilespmem:s10+$0x0]  }
.LBB2_11:
0x114: {  	p1 =	sne.s32 s11, $0x1C0;
	_ =	sdelay $0x3  }
0x115: {  	vm0 =	vgt.s32 v3, $0x0  }
0x116: {  	v3 =	vsel vm0, $0x1, v1  }
0x117: {  	(xrf0) =	vadd.scan.msk.s32 $0xffff, v3  }
0x118: {  	s12 =	spop (v2sf)  }
0x119: {  	s7 =	sadd.s32 s7, s12  }
0x11a: {  	s12 =	sadd.s32 s6, s7  }
0x11b: {  	v3 =	vmov s12  }
0x11c: {  	v3 =	vadd.s32 $0xFFFFFFFF, v3  }
0x11d: {  	v3 =	vbroadcast v3, $0x0;
	v4, _, _ =	vpop (xrf0)  }
0x11e: {  	(v2sf) =	vpush v4, $0xF  }
0x11f: {  	v3 =	vadd.s32 v4, v3  }
0x120: {  	s8 =	sadd.s32 $0x10, s8;
	vm1 =	vlt.s32 v3, $0x1F4  }
.Ltmp5:
0x121: {  	v4 =	vor.u32 s8, v0;
	vm0 =	vmand vm0, vm1;
	(pc) =	sbr.rel @p1 .LBB2_11-.Ltmp5, $4  }
0x122: {  	s12 =	sshra.s32 s9, $0x2;
	s9 =	smov.u32 s11;
	v3 =	vsel vm0, v3, v2;
	v4 =	vnsel vm0, $0x0, v4  }
0x123: {  	[tilespmem:s12+$0x1AD00] =	vst v3  }
0x124: {  	s10 =	sadd.s32 $0x80, s10;
	[tilespmem:s12+$0x1B100] =	vst v4  }
0x125: {  	s11 =	sadd.s32 $0x40, s11;
	v3 =	vld [tilespmem:s10+$0x0]  }
0x126: {  	_ =	sdelay $0x4  }
0x127: {  	vm0 =	vgt.s32 v3, $0x0  }
0x128: {  	v1 =	vsel vm0, $0x1, v1  }
0x129: {  	(xrf0) =	vadd.scan.msk.s32 $0xffff, v1;
	s10 =	spop (v2sf)  }
0x12a: {  	s7 =	sadd.s32 s7, s10  }
0x12b: {  	s10 =	sadd.s32 s6, s7  }
0x12c: {  	v1 =	vmov s10  }
0x12d: {  	v1 =	vadd.s32 $0xFFFFFFFF, v1  }
0x12e: {  	v1 =	vbroadcast v1, $0x0  }
0x12f: {  	v3, _, _ =	vpop (xrf0)  }
0x130: {  	(v2sf) =	vpush v3, $0xF;
	v1 =	vadd.s32 v3, v1  }
0x131: {  	vm1 =	vlt.s32 v1, $0x1F4  }
0x132: {  	s8 =	sadd.s32 $0x10, s8;
	vm0 =	vmand vm0, vm1  }
0x133: {  	s24 =	sshra.s32 s9, $0x2;
	v0 =	vor.u32 s8, v0;
	v1 =	vsel vm0, v1, v2  }
0x134: {  	s25 =	simm.s32 $0x80;
	v0 =	vnsel vm0, $0x0, v0;
	[tilespmem:s24+$0x1AD00] =	vst v1  }
0x135: {  	s26 =	simm.s32 $0x1AD00;
	s28 =	simm.s32 $0x1B100;
	s29 =	simm.s32 $0x19800;
	[tilespmem:s24+$0x1B100] =	vst v0  }
0x136: {  	[spmem:s2] =	stream.indirect.scatter [tilespmem:s28], [sflag:$0x1], $0x1, s26, s25, $0x2000b8;
	[tilespmem:$0x1DE38] =	vst v63  }
0x137: {  	v0 =	vld [tilespmem:s29+$0x0];
	_ =	sdelay $0x4  }
0x138: {  	v1 =	vimm.s32 $0x0;
	vm14 =	vgt.s32 v0, $0x0  }
0x139: {  	v0 =	vsel vm14, $0x1, v1  }
0x13a: {  	(xrf0) =	vadd.scan.msk.s32 $0xffff, v0  }
0x13b: {  	s30 =	spop (v2sf)  }
0x13c: {  	s7 =	sadd.s32 s7, s30  }
0x13d: {  	s8 =	sadd.s32 s6, s7  }
0x13e: {  	v0 =	vmov s8  }
0x13f: {  	v0 =	vadd.s32 $0xFFFFFFFF, v0  }
0x140: {  	v0 =	vbroadcast v0, $0x0;
	v3, _, _ =	vpop (xrf0)  }
0x141: {  	(v2sf) =	vpush v3, $0xF  }
0x142: {  	v4 =	vadd.s32 v3, v0  }
0x143: {  	v0 =	vlaneseq.u32;
	vm15 =	vlt.s32 v4, $0x1F4  }
0x144: {  	s8 =	sadd.s32 $0x100, s5;
	v2 =	vor.u32 $0x200, v0;
	vm0 =	vmand vm14, vm15  }
0x145: {  	s31 =	simm.s32 $0x0;
	v5 =	vor.u32 s8, v0;
	v4 =	vsel vm0, v4, v2  }
0x146: {  	[tilespmem:s31+$0x1AD80] =	vst v4;
	v4 =	vnsel vm0, $0x0, v5  }
0x147: {  	s10 =	simm.s32 $0x19880;
	[tilespmem:s31+$0x1B180] =	vst v4  }
0x148: {  	s9 =	simm.s32 $0x40;
	s11 =	simm.s32 $0x80;
	v3 =	vld [tilespmem:s10+$0x0]  }
.LBB2_13:
0x149: {  	p1 =	sne.s32 s11, $0x1C0;
	_ =	sdelay $0x3  }
0x14a: {  	vm0 =	vgt.s32 v3, $0x0  }
0x14b: {  	v3 =	vsel vm0, $0x1, v1  }
0x14c: {  	(xrf0) =	vadd.scan.msk.s32 $0xffff, v3  }
0x14d: {  	s12 =	spop (v2sf)  }
0x14e: {  	s7 =	sadd.s32 s7, s12  }
0x14f: {  	s12 =	sadd.s32 s6, s7  }
0x150: {  	v3 =	vmov s12  }
0x151: {  	v3 =	vadd.s32 $0xFFFFFFFF, v3  }
0x152: {  	v3 =	vbroadcast v3, $0x0;
	v4, _, _ =	vpop (xrf0)  }
0x153: {  	(v2sf) =	vpush v4, $0xF  }
0x154: {  	v3 =	vadd.s32 v4, v3  }
0x155: {  	s8 =	sadd.s32 $0x10, s8;
	vm1 =	vlt.s32 v3, $0x1F4  }
.Ltmp6:
0x156: {  	v4 =	vor.u32 s8, v0;
	vm0 =	vmand vm0, vm1;
	(pc) =	sbr.rel @p1 .LBB2_13-.Ltmp6, $4  }
0x157: {  	s12 =	sshra.s32 s9, $0x2;
	s9 =	smov.u32 s11;
	v3 =	vsel vm0, v3, v2;
	v4 =	vnsel vm0, $0x0, v4  }
0x158: {  	[tilespmem:s12+$0x1AD80] =	vst v3  }
0x159: {  	s10 =	sadd.s32 $0x80, s10;
	[tilespmem:s12+$0x1B180] =	vst v4  }
0x15a: {  	s11 =	sadd.s32 $0x40, s11;
	v3 =	vld [tilespmem:s10+$0x0]  }
0x15b: {  	_ =	sdelay $0x4  }
0x15c: {  	vm0 =	vgt.s32 v3, $0x0  }
0x15d: {  	v1 =	vsel vm0, $0x1, v1  }
0x15e: {  	(xrf0) =	vadd.scan.msk.s32 $0xffff, v1;
	s10 =	spop (v2sf)  }
0x15f: {  	s7 =	sadd.s32 s7, s10  }
0x160: {  	s10 =	sadd.s32 s6, s7  }
0x161: {  	v1 =	vmov s10  }
0x162: {  	v1 =	vadd.s32 $0xFFFFFFFF, v1  }
0x163: {  	v1 =	vbroadcast v1, $0x0  }
0x164: {  	v3, _, _ =	vpop (xrf0)  }
0x165: {  	(v2sf) =	vpush v3, $0xF;
	v1 =	vadd.s32 v3, v1  }
0x166: {  	vm1 =	vlt.s32 v1, $0x1F4  }
0x167: {  	s8 =	sadd.s32 $0x10, s8;
	vm0 =	vmand vm0, vm1  }
0x168: {  	s24 =	sshra.s32 s9, $0x2;
	v0 =	vor.u32 s8, v0;
	v1 =	vsel vm0, v1, v2  }
0x169: {  	s25 =	simm.s32 $0x80;
	v0 =	vnsel vm0, $0x0, v0;
	[tilespmem:s24+$0x1AD80] =	vst v1  }
0x16a: {  	s26 =	simm.s32 $0x1AD80;
	s28 =	simm.s32 $0x1B180;
	s29 =	simm.s32 $0x19C00;
	[tilespmem:s24+$0x1B180] =	vst v0  }
0x16b: {  	[spmem:s2] =	stream.indirect.scatter [tilespmem:s28], [sflag:$0x1], $0x1, s26, s25, $0x2000b8;
	[tilespmem:$0x1DE38] =	vst v63  }
0x16c: {  	v0 =	vld [tilespmem:s29+$0x0];
	_ =	sdelay $0x4  }
0x16d: {  	v1 =	vimm.s32 $0x0;
	vm14 =	vgt.s32 v0, $0x0  }
0x16e: {  	v0 =	vsel vm14, $0x1, v1  }
0x16f: {  	(xrf0) =	vadd.scan.msk.s32 $0xffff, v0  }
0x170: {  	s30 =	spop (v2sf)  }
0x171: {  	s7 =	sadd.s32 s7, s30  }
0x172: {  	s8 =	sadd.s32 s6, s7  }
0x173: {  	v0 =	vmov s8  }
0x174: {  	v0 =	vadd.s32 $0xFFFFFFFF, v0  }
0x175: {  	v0 =	vbroadcast v0, $0x0;
	v3, _, _ =	vpop (xrf0)  }
0x176: {  	(v2sf) =	vpush v3, $0xF  }
0x177: {  	v4 =	vadd.s32 v3, v0  }
0x178: {  	v0 =	vlaneseq.u32;
	vm15 =	vlt.s32 v4, $0x1F4  }
0x179: {  	s8 =	sadd.s32 $0x180, s5;
	v2 =	vor.u32 $0x200, v0;
	vm0 =	vmand vm14, vm15  }
0x17a: {  	s31 =	simm.s32 $0x0;
	v5 =	vor.u32 s8, v0;
	v4 =	vsel vm0, v4, v2  }
0x17b: {  	[tilespmem:s31+$0x1AE00] =	vst v4;
	v4 =	vnsel vm0, $0x0, v5  }
0x17c: {  	s10 =	simm.s32 $0x19C80;
	[tilespmem:s31+$0x1B200] =	vst v4  }
0x17d: {  	s9 =	simm.s32 $0x40;
	s11 =	simm.s32 $0x80;
	v3 =	vld [tilespmem:s10+$0x0]  }
.LBB2_15:
0x17e: {  	p1 =	sne.s32 s11, $0x1C0;
	_ =	sdelay $0x3  }
0x17f: {  	vm0 =	vgt.s32 v3, $0x0  }
0x180: {  	v3 =	vsel vm0, $0x1, v1  }
0x181: {  	(xrf0) =	vadd.scan.msk.s32 $0xffff, v3  }
0x182: {  	s12 =	spop (v2sf)  }
0x183: {  	s7 =	sadd.s32 s7, s12  }
0x184: {  	s12 =	sadd.s32 s6, s7  }
0x185: {  	v3 =	vmov s12  }
0x186: {  	v3 =	vadd.s32 $0xFFFFFFFF, v3  }
0x187: {  	v3 =	vbroadcast v3, $0x0;
	v4, _, _ =	vpop (xrf0)  }
0x188: {  	(v2sf) =	vpush v4, $0xF  }
0x189: {  	v3 =	vadd.s32 v4, v3  }
0x18a: {  	s8 =	sadd.s32 $0x10, s8;
	vm1 =	vlt.s32 v3, $0x1F4  }
.Ltmp7:
0x18b: {  	v4 =	vor.u32 s8, v0;
	vm0 =	vmand vm0, vm1;
	(pc) =	sbr.rel @p1 .LBB2_15-.Ltmp7, $4  }
0x18c: {  	s12 =	sshra.s32 s9, $0x2;
	s9 =	smov.u32 s11;
	v3 =	vsel vm0, v3, v2;
	v4 =	vnsel vm0, $0x0, v4  }
0x18d: {  	[tilespmem:s12+$0x1AE00] =	vst v3  }
0x18e: {  	s10 =	sadd.s32 $0x80, s10;
	[tilespmem:s12+$0x1B200] =	vst v4  }
0x18f: {  	s11 =	sadd.s32 $0x40, s11;
	v3 =	vld [tilespmem:s10+$0x0]  }
0x190: {  	_ =	sdelay $0x4  }
0x191: {  	vm0 =	vgt.s32 v3, $0x0  }
0x192: {  	v1 =	vsel vm0, $0x1, v1  }
0x193: {  	(xrf0) =	vadd.scan.msk.s32 $0xffff, v1;
	s10 =	spop (v2sf)  }
0x194: {  	s7 =	sadd.s32 s7, s10  }
0x195: {  	s10 =	sadd.s32 s6, s7  }
0x196: {  	v1 =	vmov s10  }
0x197: {  	v1 =	vadd.s32 $0xFFFFFFFF, v1  }
0x198: {  	v1 =	vbroadcast v1, $0x0  }
0x199: {  	v3, _, _ =	vpop (xrf0)  }
0x19a: {  	(v2sf) =	vpush v3, $0xF;
	v1 =	vadd.s32 v3, v1  }
0x19b: {  	vm1 =	vlt.s32 v1, $0x1F4  }
0x19c: {  	s8 =	sadd.s32 $0x10, s8;
	vm0 =	vmand vm0, vm1  }
0x19d: {  	s24 =	sshra.s32 s9, $0x2;
	v0 =	vor.u32 s8, v0;
	v1 =	vsel vm0, v1, v2  }
0x19e: {  	s25 =	simm.s32 $0x80;
	v0 =	vnsel vm0, $0x0, v0;
	[tilespmem:s24+$0x1AE00] =	vst v1  }
0x19f: {  	s26 =	simm.s32 $0x1AE00;
	s28 =	simm.s32 $0x1B200;
	s29 =	simm.s32 $0x1A000;
	[tilespmem:s24+$0x1B200] =	vst v0  }
0x1a0: {  	[spmem:s2] =	stream.indirect.scatter [tilespmem:s28], [sflag:$0x1], $0x1, s26, s25, $0x2000b8;
	[tilespmem:$0x1DE38] =	vst v63  }
0x1a1: {  	v0 =	vld [tilespmem:s29+$0x0];
	_ =	sdelay $0x4  }
0x1a2: {  	v1 =	vimm.s32 $0x0;
	vm14 =	vgt.s32 v0, $0x0  }
0x1a3: {  	v0 =	vsel vm14, $0x1, v1  }
0x1a4: {  	(xrf0) =	vadd.scan.msk.s32 $0xffff, v0  }
0x1a5: {  	s30 =	spop (v2sf)  }
0x1a6: {  	s7 =	sadd.s32 s7, s30  }
0x1a7: {  	s8 =	sadd.s32 s6, s7  }
0x1a8: {  	v0 =	vmov s8  }
0x1a9: {  	v0 =	vadd.s32 $0xFFFFFFFF, v0  }
0x1aa: {  	v0 =	vbroadcast v0, $0x0;
	v3, _, _ =	vpop (xrf0)  }
0x1ab: {  	(v2sf) =	vpush v3, $0xF  }
0x1ac: {  	v4 =	vadd.s32 v3, v0  }
0x1ad: {  	v0 =	vlaneseq.u32;
	vm15 =	vlt.s32 v4, $0x1F4  }
0x1ae: {  	s5 =	sadd.s32 $0x200, s5;
	v2 =	vor.u32 $0x200, v0;
	vm0 =	vmand vm14, vm15  }
0x1af: {  	s31 =	simm.s32 $0x0;
	v5 =	vor.u32 s5, v0;
	v4 =	vsel vm0, v4, v2  }
0x1b0: {  	[tilespmem:s31+$0x1AE80] =	vst v4;
	v4 =	vnsel vm0, $0x0, v5  }
0x1b1: {  	s9 =	simm.s32 $0x1A080;
	[tilespmem:s31+$0x1B280] =	vst v4  }
0x1b2: {  	s10 =	simm.s32 $0x80;
	s8 =	simm.s32 $0x40;
	v3 =	vld [tilespmem:s9+$0x0]  }
.LBB2_17:
0x1b3: {  	p1 =	sne.s32 s10, $0x1C0;
	_ =	sdelay $0x3  }
0x1b4: {  	vm0 =	vgt.s32 v3, $0x0  }
0x1b5: {  	v3 =	vsel vm0, $0x1, v1  }
0x1b6: {  	(xrf0) =	vadd.scan.msk.s32 $0xffff, v3  }
0x1b7: {  	s11 =	spop (v2sf)  }
0x1b8: {  	s7 =	sadd.s32 s7, s11  }
0x1b9: {  	s11 =	sadd.s32 s6, s7  }
0x1ba: {  	v3 =	vmov s11  }
0x1bb: {  	v3 =	vadd.s32 $0xFFFFFFFF, v3  }
0x1bc: {  	v3 =	vbroadcast v3, $0x0;
	v4, _, _ =	vpop (xrf0)  }
0x1bd: {  	(v2sf) =	vpush v4, $0xF  }
0x1be: {  	v3 =	vadd.s32 v4, v3  }
0x1bf: {  	s5 =	sadd.s32 $0x10, s5;
	vm1 =	vlt.s32 v3, $0x1F4  }
.Ltmp8:
0x1c0: {  	v4 =	vor.u32 s5, v0;
	vm0 =	vmand vm0, vm1;
	(pc) =	sbr.rel @p1 .LBB2_17-.Ltmp8, $4  }
0x1c1: {  	s11 =	sshra.s32 s8, $0x2;
	s8 =	smov.u32 s10;
	v3 =	vsel vm0, v3, v2;
	v4 =	vnsel vm0, $0x0, v4  }
0x1c2: {  	[tilespmem:s11+$0x1AE80] =	vst v3  }
0x1c3: {  	s9 =	sadd.s32 $0x80, s9;
	[tilespmem:s11+$0x1B280] =	vst v4  }
0x1c4: {  	s10 =	sadd.s32 $0x40, s10;
	v3 =	vld [tilespmem:s9+$0x0]  }
0x1c5: {  	_ =	sdelay $0x3  }
0x1c6: {  	vm0 =	vgt.s32 v3, $0x0  }
0x1c7: {  	v1 =	vsel vm0, $0x1, v1  }
0x1c8: {  	(xrf0) =	vadd.scan.msk.s32 $0xffff, v1;
	_ =	sdelay $0x5  }
0x1c9: {  	v1, _, _ =	vpop (xrf0)  }
0x1ca: {  	(v2sf) =	vpush v1, $0xF  }
0x1cb: {  	s9 =	spop (v2sf)  }
0x1cc: {  	s7 =	sadd.s32 s7, s9  }
0x1cd: {  	s6 =	sadd.s32 s6, s7  }
0x1ce: {  	v57 =	vmov s6  }
0x1cf: {  	v3 =	vadd.s32 $0xFFFFFFFF, v57  }
0x1d0: {  	v3 =	vbroadcast v3, $0x0;
	_ =	sdelay $0x1  }
0x1d1: {  	v1 =	vadd.s32 v1, v3  }
0x1d2: {  	vm1 =	vlt.s32 v1, $0x1F4  }
0x1d3: {  	s5 =	sadd.s32 $0x10, s5;
	vm0 =	vmand vm0, vm1  }
0x1d4: {  	s19 =	sshra.s32 s8, $0x2;
	v0 =	vor.u32 s5, v0;
	v1 =	vsel vm0, v1, v2  }
0x1d5: {  	v0 =	vnsel vm0, $0x0, v0;
	[tilespmem:s19+$0x1AE80] =	vst v1  }
0x1d6: {  	s20 =	simm.s32 $0x80;
	s21 =	simm.s32 $0x1AE80;
	s22 =	simm.s32 $0x1B280;
	[tilespmem:s19+$0x1B280] =	vst v0  }
0x1d7: {  	[spmem:s2] =	stream.indirect.scatter [tilespmem:s22], [sflag:$0x1], $0x1, s21, s20, $0x2000b8;
	[tilespmem:$0x1DE38] =	vst v63  }
0x1d8: {  	s2 =	simm.s32 $0x1;
	s23 =	spop (v2sf)  }
0x1d9: {  	_ =	swait.ge [sflag:s2], $0x80  }
0x1da: {  	[sflag:s2] =	ssyncset.done $0x0  }
0x1db: {  	[sflag:s2] =	ssyncadd.s32 $0xFFFFFF80  }
0x1dc: {  	_ =	swait.ge [sflag:s2], $0x80  }
0x1dd: {  	[sflag:s2] =	ssyncset.done $0x0  }
0x1de: {  	[sflag:s2] =	ssyncadd.s32 $0xFFFFFF80  }
0x1df: {  	_ =	swait.ge [sflag:s2], $0x80  }
0x1e0: {  	[sflag:s2] =	ssyncset.done $0x0  }
0x1e1: {  	[sflag:s2] =	ssyncadd.s32 $0xFFFFFF80  }
0x1e2: {  	_ =	swait.ge [sflag:s2], $0x80  }
0x1e3: {  	[sflag:s2] =	ssyncset.done $0x0  }
0x1e4: {  	[sflag:s2] =	ssyncadd.s32 $0xFFFFFF80  }
0x1e5: {  	_ =	swait.ge [sflag:s2], $0x80  }
0x1e6: {  	[sflag:s2] =	ssyncset.done $0x0  }
0x1e7: {  	[sflag:s2] =	ssyncadd.s32 $0xFFFFFF80  }
0x1e8: {  	_ =	strace $0x9000004D  }
0x1e9: {  	[bflag:$0x0] =	sbarrier.arrive $0xFFFF  }
0x1ea: {  	s24 =	simm.s32 $0x1BB00;
	s25 =	simm.s32 $0x2;
	_ =	strace $0x8000004E  }
0x1eb: {  	[tilespmem:s24], [sflag:$0x2] =	stream.linear.gather [spmem:s4], $0x20, $0x200038;
	[tilespmem:$0x1DE38] =	vst v63  }
0x1ec: {  	_ =	swait.ge [sflag:s25], $0x20  }
0x1ed: {  	[sflag:s25] =	ssyncset.done $0x0  }
0x1ee: {  	[sflag:s25] =	ssyncadd.s32 $0xFFFFFFE0  }
0x1ef: {  	v58 =	vld [tilespmem:$0x1BB00];
	_ =	sdelay $0x4  }
0x1f0: {  	v59 =	vshll.u32 v58, $0x1  }
0x1f1: {  	v60 =	vlaneseq.u32;
	v0 =	vand.u32 $0x7, v58;
	v1 =	vand.u32 $0xFFFFFFF0, v59  }
0x1f2: {  	v61 =	vand.u32 $0x7, v60;
	v62 =	vshrl.u32 v60, $0x3;
	v0 =	vor.u32 v0, v1  }
0x1f3: {  	v3 =	vmul.u32 $0x8, v62;
	v4 =	vperm.xlane v0, v61  }
0x1f4: {  	v2 =	vor.u32 $0x8, v60  }
0x1f5: {  	v0 =	vperm.xlane v0, v2;
	v4 =	vadd.s32 v3, v4;
	_ =	sdelay $0x1  }
0x1f6: {  	v0 =	vadd.s32 v3, v0;
	_ =	sdelay $0x1  }
0x1f7: {  	vm15 =	vmmov $0xffff;
	s26 =	simm.s32 $0x0;
	s28 =	simm.s32 $0x1BB80  }
0x1f8: {  	[tilespmem:s28], [sflag:$0x1] =	stream.indirect_vreg.gather [hbm4b:s1+s26], $0x80, v4, vm15, $0x2000b8;
	[tilespmem:$0x1DE38] =	vst v63  }
0x1f9: {  	s29 =	simm.s32 $0x1C380  }
0x1fa: {  	[tilespmem:s29], [sflag:$0x1] =	stream.indirect_vreg.gather [hbm4b:s1+s26], $0x80, v0, vm15, $0x2000b8;
	[tilespmem:$0x1DE38] =	vst v63  }
0x1fb: {  	v0 =	vld [tilespmem:$0x1BB10];
	_ =	sdelay $0x4  }
0x1fc: {  	v63 =	vshll.u32 v0, $0x1  }
0x1fd: {  	v0 =	vand.u32 $0x7, v0;
	v4 =	vand.u32 $0xFFFFFFF0, v63  }
0x1fe: {  	v0 =	vor.u32 v0, v4  }
0x1ff: {  	v1 =	vperm.xlane v0, v61;
	_ =	sdelay $0x1  }
0x200: {  	v0 =	vperm.xlane v0, v2;
	v1 =	vadd.s32 v3, v1;
	_ =	sdelay $0x1  }
0x201: {  	v0 =	vadd.s32 v3, v0;
	_ =	sdelay $0x1  }
0x202: {  	s30 =	simm.s32 $0x1CB80  }
0x203: {  	[tilespmem:s30], [sflag:$0x1] =	stream.indirect_vreg.gather [hbm4b:s1+s26], $0x80, v1, vm15, $0x2000b8;
	[tilespmem:$0x1DE38] =	vst v63  }
0x204: {  	s31 =	simm.s32 $0x1D380  }
0x205: {  	[tilespmem:s31], [sflag:$0x1] =	stream.indirect_vreg.gather [hbm4b:s1+s26], $0x80, v0, vm15, $0x2000b8;
	[tilespmem:$0x1DE38] =	vst v63  }
0x206: {  	_ =	swait.ge [sflag:s2], $0x2000  }
0x207: {  	[sflag:s2] =	ssyncset.done $0x0  }
0x208: {  	[sflag:s2] =	ssyncadd.s32 $0xFFFFE000  }
0x209: {  	[hbm4b:s3+s26] =	stream.linear.scatter [tilespmem:s28], [sflag:$0x2], $0x2000, $0x200038;
	[tilespmem:$0x1DE38] =	vst v63  }
0x20a: {  	_ =	swait.ge [sflag:s25], $0x2000  }
0x20b: {  	[sflag:s25] =	ssyncset.done $0x0  }
0x20c: {  	[sflag:s25] =	ssyncadd.s32 $0xFFFFE000  }
0x20d: {  	_ =	strace $0x9000004E  }
0x20e: {  	_ =	sfence.sel $0x180000  }
0x20f: {  	[bflag:$0x0] =	sbarrier.arrive $0xFFFF  }
0x210: {  	_ =	strace $0x90000047  }
0x211: {  	s0 =	sadd.s32 @!p0 $0x100000, s0;
	[bflag:$0x2] =	sbarrier.arrive $0xFFFF  }
0x212: {  	[sflag:s0] =	ssyncadd.tile.s32 @!p0 $0x1;
	_ =	shalt  }
.Lfunc_end2:
_tile_overlayer_lowered:
.L_overlay_start_2:
0x213: {  	(tag) =	ssettag $0x2  }
0x214: {  	s0 =	rddreg [dreg:$0x0];
	s2 =	stileid.u32  }
0x215: {  	s1 =	rddreg [dreg:$0x1];
	p0 =	sne.s32 s2, $0x0  }
0x216: {  	s3 =	rddreg [dreg:$0x2];
	[bflag:$0x3] =	sbarrier.arrive $0xFFFF;
	s2 =	simm.s32 @!p0 $0x1C02  }
0x217: {  	[timem:s3], [sflag:s2] =	dma.local @!p0 [hbm:s0], s1  }
0x218: {  	s0 =	simm.s32 @!p0 $0x2  }
0x219: {  	_ =	swait.ge @!p0 [sflag:s0], s1  }
0x21a: {  	s1 =	ssub.s32 @!p0 $0x0, s1;
	[sflag:s0] =	ssyncset.done @!p0 $0x0  }
0x21b: {  	[sflag:s0] =	ssyncadd.s32 @!p0 s1  }
0x21c: {  	[bflag:$0x3] =	sbarrier.arrive $0xFFFF  }
0x21d: {  	_ =	shalt  }

</sc_bundles>
